<compile_context>
chip_gen: v7x
topology: tpu7x:2x2x1
jax: 0.10.2.dev20260603
libtpu: 0.0.44.dev20260713+nightly
codegen_flags: <defaults>
</compile_context>

<pallas_src>
import functools

import jax
import jax.numpy as jnp
from jax import lax
from jax.experimental import pallas as pl
from jax.experimental.pallas import tpu as pltpu
from jax.experimental.pallas import tpu_sc as plsc

N = 10000
E = 320000
F_IN = 128
H = 64
G = 128

NC = 2
NS = 16
NW = NC * NS
EPW = E // NW
C = 80
NCHUNK = EPW // C
P = 80
N_PAD = 10240
RPS = N_PAD // NS


def _proj_body(x_ref, wl_ref, wr_ref, xl_ref, xr_ref):
    x = x_ref[...]
    xl_ref[...] = jnp.dot(x, wl_ref[...], preferred_element_type=jnp.float32)
    xr_ref[...] = jnp.dot(x, wr_ref[...], preferred_element_type=jnp.float32)


_proj = pl.pallas_call(
    _proj_body,
    out_shape=(
        jax.ShapeDtypeStruct((N, H), jnp.float32),
        jax.ShapeDtypeStruct((N, H), jnp.float32),
    ),
)


_GDNUMS = lax.GatherDimensionNumbers(
    offset_dims=(), collapsed_slice_dims=(0,), start_index_map=(0,))


def _lane_sum(v):
    lanes = lax.iota(jnp.int32, 16)
    for sh in (1, 2, 4, 8):
        perm = lanes ^ sh
        v = v + lax.gather(v, perm[:, None], _GDNUMS, (1,),
                           mode=lax.GatherScatterMode.PROMISE_IN_BOUNDS)
    return v


def _edge_body(src_hbm, dst_hbm, xl_hbm, xr_hbm, att_hbm, zeros_hbm,
               acc_hbm,
               sidx0, didx0, xlv0, xrv0, rows0,
               sidx1, didx1, xlv1, xrv1, rows1,
               attv, acc_sh, sl0, sr0, sl1, sr1):
    cid = lax.axis_index("c")
    sid = lax.axis_index("s")
    wid = sid * NC + cid

    pltpu.sync_copy(zeros_hbm.at[pl.ds(sid * RPS, RPS)],
                    acc_sh.at[pl.ds(sid * RPS, RPS)])
    pltpu.sync_copy(att_hbm, attv)
    plsc.subcore_barrier()

    base0 = wid * EPW
    bufs = ((sidx0, didx0, xlv0, xrv0, rows0, sl0, sr0),
            (sidx1, didx1, xlv1, xrv1, rows1, sl1, sr1))

    def issue(ci, b):
        sidx, didx, xlv, xrv, rows, sl, sr = b
        base = base0 + ci * C
        pltpu.sync_copy(src_hbm.at[pl.ds(base, C)], sidx)
        pltpu.sync_copy(dst_hbm.at[pl.ds(base, C)], didx)
        pltpu.async_copy(xl_hbm.at[sidx], xlv, sl)
        pltpu.async_copy(xr_hbm.at[didx], xrv, sr)

    def consume(b):
        sidx, didx, xlv, xrv, rows, sl, sr = b
        pltpu.make_async_copy(xl_hbm.at[sidx], xlv, sl).wait()
        pltpu.make_async_copy(xr_hbm.at[didx], xrv, sr).wait()

        @pl.loop(0, C)
        def _edge(i):
            lvs = []
            ts = []
            for f in range(H // 16):
                lv = xlv[i, pl.ds(16 * f, 16)]
                rv = xrv[i, pl.ds(16 * f, 16)]
                t = lv + rv
                ts.append(jnp.maximum(t, 0.2 * t))
                lvs.append(lv)
            s_acc = None
            for f in range(H // 16):
                u = lax.bitcast_convert_type(ts[f], jnp.uint32)
                u = (u + jnp.uint32(0x7FFF) + ((u >> jnp.uint32(16))
                                               & jnp.uint32(1)))
                u = u & jnp.uint32(0xFFFF0000)
                t_r = lax.bitcast_convert_type(u, jnp.float32)
                contrib = t_r * attv[pl.ds(16 * f, 16)]
                s_acc = contrib if s_acc is None else s_acc + contrib
            s = jnp.exp(_lane_sum(s_acc))
            for f in range(H // 16):
                rows[i, pl.ds(16 * f, 16)] = s * lvs[f]
            rows[i, pl.ds(H, 16)] = s

        pltpu.sync_copy(rows, acc_sh.at[didx], add=True)

    issue(0, bufs[0])

    @pl.loop(0, NCHUNK // 2)
    def _pair(p):
        ci0 = 2 * p
        issue(ci0 + 1, bufs[1])
        consume(bufs[0])
        issue(ci0 + 2, bufs[0])
        consume(bufs[1])

    consume(bufs[0])

    plsc.subcore_barrier()
    pltpu.sync_copy(acc_sh.at[pl.ds(sid * RPS, RPS)],
                    acc_hbm.at[cid, pl.ds(sid * RPS, RPS)])


_edge_kernel = functools.partial(
    pl.kernel,
    out_type=jax.ShapeDtypeStruct((NC, N_PAD, P), jnp.float32),
    mesh=plsc.VectorSubcoreMesh(core_axis_name="c", subcore_axis_name="s"),
    compiler_params=pltpu.CompilerParams(use_tc_tiling_on_sc=False),
    scratch_types=[
        pltpu.VMEM((C,), jnp.int32),
        pltpu.VMEM((C,), jnp.int32),
        pltpu.VMEM((C, H), jnp.float32),
        pltpu.VMEM((C, H), jnp.float32),
        pltpu.VMEM((C, P), jnp.float32),
        pltpu.VMEM((C,), jnp.int32),
        pltpu.VMEM((C,), jnp.int32),
        pltpu.VMEM((C, H), jnp.float32),
        pltpu.VMEM((C, H), jnp.float32),
        pltpu.VMEM((C, P), jnp.float32),
        pltpu.VMEM((H,), jnp.float32),
        pltpu.VMEM_SHARED((N_PAD, P), jnp.float32),
        pltpu.SemaphoreType.DMA,
        pltpu.SemaphoreType.DMA,
        pltpu.SemaphoreType.DMA,
        pltpu.SemaphoreType.DMA,
    ],
)(_edge_body)


def _head_body(acc_ref, bconv_ref, batch_ref, wlin_ref, blin_ref,
               wp1_ref, bp1_ref, wp2_ref, bp2_ref, out_ref):
    acc = acc_ref[0] + acc_ref[1]
    num = acc[:, :H]
    den = acc[:, H:H + 1]
    h = jnp.maximum(num / (den + 1e-16) + bconv_ref[...], 0.0)
    gi = lax.broadcasted_iota(jnp.int32, (G, N_PAD), 0)
    onehot = (batch_ref[...] == gi).astype(jnp.float32)
    gsum = jnp.dot(onehot, h, preferred_element_type=jnp.float32, precision=lax.Precision.HIGHEST)
    counts = jnp.sum(onehot, axis=1, keepdims=True)
    g = gsum / jnp.maximum(counts, 1.0)
    z = jnp.dot(g, wlin_ref[...], preferred_element_type=jnp.float32)
    z = z + blin_ref[...]
    z = jnp.where(z >= 0, z, 0.01 * z)
    z = jnp.dot(z, wp1_ref[...], preferred_element_type=jnp.float32)
    z = z + bp1_ref[...]
    out_ref[...] = (jnp.dot(z, wp2_ref[...], preferred_element_type=jnp.float32)
                    + bp2_ref[...])


_head = pl.pallas_call(
    _head_body,
    out_shape=jax.ShapeDtypeStruct((G, 128), jnp.float32),
)


def kernel(x, edge_index, batch, W_l, W_r, att, b_conv, W_lin, b_lin,
           W_p1, b_p1, W_p2, b_p2):
    xl, xr = _proj(x, W_l, W_r)
    src = edge_index[0]
    dst = edge_index[1]
    zeros = jnp.zeros((N_PAD, P), jnp.float32)
    att_r = att.astype(jnp.bfloat16).astype(jnp.float32)
    acc = _edge_kernel(src, dst, xl, xr, att_r, zeros)
    wp2 = jnp.zeros((32, 128), jnp.float32).at[:, :2].set(W_p2)
    bp2 = jnp.zeros((128,), jnp.float32).at[:2].set(b_p2)
    out = _head(acc, b_conv.reshape(1, H), jnp.full((1, N_PAD), G, jnp.int32).at[0, :N].set(batch),
                W_lin, b_lin.reshape(1, 64), W_p1, b_p1.reshape(1, 32),
                wp2, bp2.reshape(1, 128))
    return out[:, :2]

# --- scband reference (transcript-rebuilt; emitter-appended) ---
"""Pipeline reference for scband-gcn-23665269801024 (READ-ONLY COPY).

The authoritative reference and input builder live on the scoring server;
editing this copy changes nothing except your own understanding.
"""

import jax, jax.numpy as jnp
import numpy as np

N = 10000
E = 320000
F_IN = 128
H = 64
G = 128


def setup_inputs(seed: int = 0) -> dict:
    key = jax.random.key(seed)
    ks = jax.random.split(key, 14)
    x = jax.random.normal(ks[0], (N, F_IN), dtype=jnp.float32)
    edge_index = jax.random.randint(ks[1], (2, E), 0, N, dtype=jnp.int32)
    batch = jnp.sort(jax.random.randint(ks[2], (N,), 0, G, dtype=jnp.int32))
    s = 0.1
    W_l = s * jax.random.normal(ks[3], (F_IN, H), dtype=jnp.float32)
    W_r = s * jax.random.normal(ks[4], (F_IN, H), dtype=jnp.float32)
    att = s * jax.random.normal(ks[5], (H,), dtype=jnp.float32)
    b_conv = s * jax.random.normal(ks[6], (H,), dtype=jnp.float32)
    W_lin = s * jax.random.normal(ks[7], (H, 64), dtype=jnp.float32)
    b_lin = s * jax.random.normal(ks[8], (64,), dtype=jnp.float32)
    W_p1 = s * jax.random.normal(ks[9], (64, 32), dtype=jnp.float32)
    b_p1 = s * jax.random.normal(ks[10], (32,), dtype=jnp.float32)
    W_p2 = s * jax.random.normal(ks[11], (32, 2), dtype=jnp.float32)
    b_p2 = s * jax.random.normal(ks[12], (2,), dtype=jnp.float32)
    return {"x": x, "edge_index": edge_index, "batch": batch, "W_l": W_l, "W_r": W_r,
            "att": att, "b_conv": b_conv, "W_lin": W_lin, "b_lin": b_lin,
            "W_p1": W_p1, "b_p1": b_p1, "W_p2": W_p2, "b_p2": b_p2}


def reference(x, edge_index, batch, W_l, W_r, att, b_conv, W_lin, b_lin, W_p1, b_p1, W_p2, b_p2):
    # GATv2Conv (single head, negative_slope=0.2, share_weights=False)
    src = edge_index[0]
    dst = edge_index[1]
    xl = x @ W_l  # source transform
    xr = x @ W_r  # target transform
    msg = xl[src] + xr[dst]                      # gather per edge
    e = jax.nn.leaky_relu(msg, negative_slope=0.2) @ att  # [E]
    # segment softmax over incoming edges of each dst node
    m = jax.ops.segment_max(e, dst, num_segments=N)
    m = jnp.where(jnp.isfinite(m), m, 0.0)
    a = jnp.exp(e - m[dst])
    denom = jax.ops.segment_sum(a, dst, num_segments=N)
    alpha = a / (denom[dst] + 1e-16)
    out = jax.ops.segment_sum(alpha[:, None] * xl[src], dst, num_segments=N) + b_conv
    # dropout is identity in eval mode
    h = jax.nn.relu(out)
    # scatter_mean over graph ids
    counts = jax.ops.segment_sum(jnp.ones((N,), jnp.float32), batch, num_segments=G)
    g = jax.ops.segment_sum(h, batch, num_segments=G) / jnp.maximum(counts, 1.0)[:, None]
    z = g @ W_lin + b_lin
    p = jax.nn.leaky_relu(z, negative_slope=0.01)
    p = p @ W_p1 + b_p1
    p = p @ W_p2 + b_p2
    return p

if __name__ == "__main__":
    import jax
    _d = setup_inputs()
    print(jax.jit(kernel)(*tuple(_d.values())))

</pallas_src>

<mosaic_0001>
#map = affine_map<(d0, d1) -> (0)>
#map1 = affine_map<(d0, d1) -> (0, 0)>
#map2 = affine_map<(d0, d1) -> (0, 0, 0)>
module attributes {stable_mosaic.version = 14 : i64} {
  func.func @_edge_body(%arg0: i32, %arg1: i32, %arg2: memref<320000xi32, #tpu.memory_space<hbm>>, %arg3: memref<320000xi32, #tpu.memory_space<hbm>>, %arg4: memref<10000x64xf32, #tpu.memory_space<hbm>>, %arg5: memref<10000x64xf32, #tpu.memory_space<hbm>>, %arg6: memref<64xf32, #tpu.memory_space<hbm>>, %arg7: memref<10240x80xf32, #tpu.memory_space<hbm>>, %arg8: memref<2x10240x80xf32, #tpu.memory_space<hbm>>, %arg9: memref<80xi32, #tpu.memory_space<vmem>>, %arg10: memref<80xi32, #tpu.memory_space<vmem>>, %arg11: memref<80x64xf32, #tpu.memory_space<vmem>>, %arg12: memref<80x64xf32, #tpu.memory_space<vmem>>, %arg13: memref<80x80xf32, #tpu.memory_space<vmem>>, %arg14: memref<80xi32, #tpu.memory_space<vmem>>, %arg15: memref<80xi32, #tpu.memory_space<vmem>>, %arg16: memref<80x64xf32, #tpu.memory_space<vmem>>, %arg17: memref<80x64xf32, #tpu.memory_space<vmem>>, %arg18: memref<80x80xf32, #tpu.memory_space<vmem>>, %arg19: memref<64xf32, #tpu.memory_space<vmem>>, %arg20: memref<10240x80xf32, #tpu.memory_space<vmem_shared>>, %arg21: memref<!tpu.dma_semaphore, #tpu.memory_space<semaphore_mem>>, %arg22: memref<!tpu.dma_semaphore, #tpu.memory_space<semaphore_mem>>, %arg23: memref<!tpu.dma_semaphore, #tpu.memory_space<semaphore_mem>>, %arg24: memref<!tpu.dma_semaphore, #tpu.memory_space<semaphore_mem>>) attributes {dimension_semantics = [#tpu.dimension_semantics<core_parallel>, #tpu.dimension_semantics<subcore_parallel>], iteration_bounds = array<i64: 2, 16>, scalar_prefetch = 0 : i64, scratch_operands = 16 : i64, tpu.core_type = #tpu.core_type<sc_vector_subcore>, window_params = [{transform_indices = #map}, {transform_indices = #map}, {transform_indices = #map1}, {transform_indices = #map1}, {transform_indices = #map}, {transform_indices = #map1}, {transform_indices = #map2}]} {
    %mul3A = arith.constant 2 : i32
    %mul3A_0 = arith.muli %arg1, %mul3A : i32
    %add3A = arith.addi %mul3A_0, %arg0 : i32
    %mul3A_1 = arith.constant 640 : i32
    %mul3A_2 = arith.muli %arg1, %mul3A_1 : i32
    %mul3A_3 = arith.constant 640 : i32
    %mul3A_4 = arith.muli %arg1, %mul3A_3 : i32
    "tpu.region"() ({
      %run_scoped3A = tpu.sem_alloc : memref<!tpu.dma_semaphore, #tpu.memory_space<semaphore_mem>>
      %dma_start3A_33 = arith.constant 0 : i32
      %dma_start3A_34 = tpu.memref_slice %arg20[%mul3A_4, %dma_start3A_33] : memref<10240x80xf32, #tpu.memory_space<vmem_shared>> -> memref<640x80xf32, #tpu.memory_space<vmem_shared>>
      %dma_start3A_35 = arith.constant 0 : i32
      %dma_start3A_36 = tpu.memref_slice %arg7[%mul3A_2, %dma_start3A_35] : memref<10240x80xf32, #tpu.memory_space<hbm>> -> memref<640x80xf32, #tpu.memory_space<hbm>>
      tpu.enqueue_dma source(%dma_start3A_36 : memref<640x80xf32, #tpu.memory_space<hbm>>) target(%dma_start3A_34 : memref<640x80xf32, #tpu.memory_space<vmem_shared>>) target_semaphore(%run_scoped3A : memref<!tpu.dma_semaphore, #tpu.memory_space<semaphore_mem>>)
      %dma_wait3A_37 = arith.constant 0 : i32
      %dma_wait3A_38 = tpu.memref_slice %arg20[%mul3A_4, %dma_wait3A_37] : memref<10240x80xf32, #tpu.memory_space<vmem_shared>> -> memref<640x80xf32, #tpu.memory_space<vmem_shared>>
      %dma_wait3A_39 = arith.constant 0 : i32
      %dma_wait3A_40 = tpu.memref_slice %arg7[%mul3A_2, %dma_wait3A_39] : memref<10240x80xf32, #tpu.memory_space<hbm>> -> memref<640x80xf32, #tpu.memory_space<hbm>>
      tpu.wait_dma2 semaphore(%run_scoped3A : memref<!tpu.dma_semaphore, #tpu.memory_space<semaphore_mem>>) src(%dma_wait3A_40 : memref<640x80xf32, #tpu.memory_space<hbm>>) dst(%dma_wait3A_38 : memref<640x80xf32, #tpu.memory_space<vmem_shared>>)
      tpu.yield
    }) : () -> ()
    "tpu.region"() ({
      %run_scoped3A = tpu.sem_alloc : memref<!tpu.dma_semaphore, #tpu.memory_space<semaphore_mem>>
      tpu.enqueue_dma source(%arg6 : memref<64xf32, #tpu.memory_space<hbm>>) target(%arg19 : memref<64xf32, #tpu.memory_space<vmem>>) target_semaphore(%run_scoped3A : memref<!tpu.dma_semaphore, #tpu.memory_space<semaphore_mem>>)
      tpu.wait_dma2 semaphore(%run_scoped3A : memref<!tpu.dma_semaphore, #tpu.memory_space<semaphore_mem>>) src(%arg6 : memref<64xf32, #tpu.memory_space<hbm>>) dst(%arg19 : memref<64xf32, #tpu.memory_space<vmem>>)
      tpu.yield
    }) : () -> ()
    %barrier3A = arith.constant 0 : index
    tpu.barrier barrier_id(%barrier3A)
    %mul3A_5 = arith.constant 10000 : i32
    %mul3A_6 = arith.muli %add3A, %mul3A_5 : i32
    %add3A_7 = arith.constant 0 : i32
    %add3A_8 = arith.addi %mul3A_6, %add3A_7 : i32
    "tpu.region"() ({
      %run_scoped3A = tpu.sem_alloc : memref<!tpu.dma_semaphore, #tpu.memory_space<semaphore_mem>>
      %dma_start3A_33 = tpu.memref_slice %arg2[%add3A_8] : memref<320000xi32, #tpu.memory_space<hbm>> -> memref<80xi32, #tpu.memory_space<hbm>>
      %dma_start3A_34 = tpu.memref_slice %arg2[%add3A_8] : memref<320000xi32, #tpu.memory_space<hbm>> -> memref<80xi32, #tpu.memory_space<hbm>>
      tpu.enqueue_dma source(%dma_start3A_34 : memref<80xi32, #tpu.memory_space<hbm>>) target(%arg9 : memref<80xi32, #tpu.memory_space<vmem>>) target_semaphore(%run_scoped3A : memref<!tpu.dma_semaphore, #tpu.memory_space<semaphore_mem>>)
      %dma_wait3A_35 = tpu.memref_slice %arg2[%add3A_8] : memref<320000xi32, #tpu.memory_space<hbm>> -> memref<80xi32, #tpu.memory_space<hbm>>
      %dma_wait3A_36 = tpu.memref_slice %arg2[%add3A_8] : memref<320000xi32, #tpu.memory_space<hbm>> -> memref<80xi32, #tpu.memory_space<hbm>>
      tpu.wait_dma2 semaphore(%run_scoped3A : memref<!tpu.dma_semaphore, #tpu.memory_space<semaphore_mem>>) src(%dma_wait3A_36 : memref<80xi32, #tpu.memory_space<hbm>>) dst(%arg9 : memref<80xi32, #tpu.memory_space<vmem>>)
      tpu.yield
    }) : () -> ()
    "tpu.region"() ({
      %run_scoped3A = tpu.sem_alloc : memref<!tpu.dma_semaphore, #tpu.memory_space<semaphore_mem>>
      %dma_start3A_33 = tpu.memref_slice %arg3[%add3A_8] : memref<320000xi32, #tpu.memory_space<hbm>> -> memref<80xi32, #tpu.memory_space<hbm>>
      %dma_start3A_34 = tpu.memref_slice %arg3[%add3A_8] : memref<320000xi32, #tpu.memory_space<hbm>> -> memref<80xi32, #tpu.memory_space<hbm>>
      tpu.enqueue_dma source(%dma_start3A_34 : memref<80xi32, #tpu.memory_space<hbm>>) target(%arg10 : memref<80xi32, #tpu.memory_space<vmem>>) target_semaphore(%run_scoped3A : memref<!tpu.dma_semaphore, #tpu.memory_space<semaphore_mem>>)
      %dma_wait3A_35 = tpu.memref_slice %arg3[%add3A_8] : memref<320000xi32, #tpu.memory_space<hbm>> -> memref<80xi32, #tpu.memory_space<hbm>>
      %dma_wait3A_36 = tpu.memref_slice %arg3[%add3A_8] : memref<320000xi32, #tpu.memory_space<hbm>> -> memref<80xi32, #tpu.memory_space<hbm>>
      tpu.wait_dma2 semaphore(%run_scoped3A : memref<!tpu.dma_semaphore, #tpu.memory_space<semaphore_mem>>) src(%dma_wait3A_36 : memref<80xi32, #tpu.memory_space<hbm>>) dst(%arg10 : memref<80xi32, #tpu.memory_space<vmem>>)
      tpu.yield
    }) : () -> ()
    %dma_start3A = arith.constant 0 : i32
    %dma_start3A_9 = arith.constant 0 : i32
    %dma_start3A_10 = tpu.memref_slice %arg4[%dma_start3A, %dma_start3A_9] : memref<10000x64xf32, #tpu.memory_space<hbm>> -> memref<10000x64xf32, #tpu.memory_space<hbm>>
    tpu.enqueue_indirect_dma source(%dma_start3A_10 : memref<10000x64xf32, #tpu.memory_space<hbm>>) target(%arg11 : memref<80x64xf32, #tpu.memory_space<vmem>>) offsets(%arg9 : memref<80xi32, #tpu.memory_space<vmem>>) semaphore(%arg21 : memref<!tpu.dma_semaphore, #tpu.memory_space<semaphore_mem>>)
    %dma_start3A_11 = arith.constant 0 : i32
    %dma_start3A_12 = arith.constant 0 : i32
    %dma_start3A_13 = tpu.memref_slice %arg5[%dma_start3A_11, %dma_start3A_12] : memref<10000x64xf32, #tpu.memory_space<hbm>> -> memref<10000x64xf32, #tpu.memory_space<hbm>>
    tpu.enqueue_indirect_dma source(%dma_start3A_13 : memref<10000x64xf32, #tpu.memory_space<hbm>>) target(%arg12 : memref<80x64xf32, #tpu.memory_space<vmem>>) offsets(%arg10 : memref<80xi32, #tpu.memory_space<vmem>>) semaphore(%arg22 : memref<!tpu.dma_semaphore, #tpu.memory_space<semaphore_mem>>)
    %scan3A = arith.constant 0 : i32
    %scan3A_14 = arith.constant 62 : i32
    %scan3A_15 = arith.addi %scan3A, %scan3A_14 : i32
    %scan3A_16 = arith.constant 1 : i32
    scf.for %scan3A_33 = %scan3A to %scan3A_15 step %scan3A_16  : i32 {
      %mul3A_34 = arith.constant 1 : i32
      %mul3A_35 = arith.muli %scan3A_33, %mul3A_34 : i32
      %add3A_36 = arith.constant 0 : i32
      %add3A_37 = arith.addi %add3A_36, %mul3A_35 : i32
      %mul3A_38 = arith.constant 2 : i32
      %mul3A_39 = arith.muli %mul3A_38, %add3A_37 : i32
      %add3A_40 = arith.constant 1 : i32
      %add3A_41 = arith.addi %mul3A_39, %add3A_40 : i32
      %mul3A_42 = arith.constant 80 : i32
      %mul3A_43 = arith.muli %add3A_41, %mul3A_42 : i32
      %add3A_44 = arith.addi %mul3A_6, %mul3A_43 : i32
      "tpu.region"() ({
        %run_scoped3A = tpu.sem_alloc : memref<!tpu.dma_semaphore, #tpu.memory_space<semaphore_mem>>
        %dma_start3A_84 = tpu.memref_slice %arg2[%add3A_44] : memref<320000xi32, #tpu.memory_space<hbm>> -> memref<80xi32, #tpu.memory_space<hbm>>
        %dma_start3A_85 = tpu.memref_slice %arg2[%add3A_44] : memref<320000xi32, #tpu.memory_space<hbm>> -> memref<80xi32, #tpu.memory_space<hbm>>
        tpu.enqueue_dma source(%dma_start3A_85 : memref<80xi32, #tpu.memory_space<hbm>>) target(%arg14 : memref<80xi32, #tpu.memory_space<vmem>>) target_semaphore(%run_scoped3A : memref<!tpu.dma_semaphore, #tpu.memory_space<semaphore_mem>>)
        %dma_wait3A_86 = tpu.memref_slice %arg2[%add3A_44] : memref<320000xi32, #tpu.memory_space<hbm>> -> memref<80xi32, #tpu.memory_space<hbm>>
        %dma_wait3A_87 = tpu.memref_slice %arg2[%add3A_44] : memref<320000xi32, #tpu.memory_space<hbm>> -> memref<80xi32, #tpu.memory_space<hbm>>
        tpu.wait_dma2 semaphore(%run_scoped3A : memref<!tpu.dma_semaphore, #tpu.memory_space<semaphore_mem>>) src(%dma_wait3A_87 : memref<80xi32, #tpu.memory_space<hbm>>) dst(%arg14 : memref<80xi32, #tpu.memory_space<vmem>>)
        tpu.yield
      }) : () -> ()
      "tpu.region"() ({
        %run_scoped3A = tpu.sem_alloc : memref<!tpu.dma_semaphore, #tpu.memory_space<semaphore_mem>>
        %dma_start3A_84 = tpu.memref_slice %arg3[%add3A_44] : memref<320000xi32, #tpu.memory_space<hbm>> -> memref<80xi32, #tpu.memory_space<hbm>>
        %dma_start3A_85 = tpu.memref_slice %arg3[%add3A_44] : memref<320000xi32, #tpu.memory_space<hbm>> -> memref<80xi32, #tpu.memory_space<hbm>>
        tpu.enqueue_dma source(%dma_start3A_85 : memref<80xi32, #tpu.memory_space<hbm>>) target(%arg15 : memref<80xi32, #tpu.memory_space<vmem>>) target_semaphore(%run_scoped3A : memref<!tpu.dma_semaphore, #tpu.memory_space<semaphore_mem>>)
        %dma_wait3A_86 = tpu.memref_slice %arg3[%add3A_44] : memref<320000xi32, #tpu.memory_space<hbm>> -> memref<80xi32, #tpu.memory_space<hbm>>
        %dma_wait3A_87 = tpu.memref_slice %arg3[%add3A_44] : memref<320000xi32, #tpu.memory_space<hbm>> -> memref<80xi32, #tpu.memory_space<hbm>>
        tpu.wait_dma2 semaphore(%run_scoped3A : memref<!tpu.dma_semaphore, #tpu.memory_space<semaphore_mem>>) src(%dma_wait3A_87 : memref<80xi32, #tpu.memory_space<hbm>>) dst(%arg15 : memref<80xi32, #tpu.memory_space<vmem>>)
        tpu.yield
      }) : () -> ()
      %dma_start3A_45 = arith.constant 0 : i32
      %dma_start3A_46 = arith.constant 0 : i32
      %dma_start3A_47 = tpu.memref_slice %arg4[%dma_start3A_45, %dma_start3A_46] : memref<10000x64xf32, #tpu.memory_space<hbm>> -> memref<10000x64xf32, #tpu.memory_space<hbm>>
      tpu.enqueue_indirect_dma source(%dma_start3A_47 : memref<10000x64xf32, #tpu.memory_space<hbm>>) target(%arg16 : memref<80x64xf32, #tpu.memory_space<vmem>>) offsets(%arg14 : memref<80xi32, #tpu.memory_space<vmem>>) semaphore(%arg23 : memref<!tpu.dma_semaphore, #tpu.memory_space<semaphore_mem>>)
      %dma_start3A_48 = arith.constant 0 : i32
      %dma_start3A_49 = arith.constant 0 : i32
      %dma_start3A_50 = tpu.memref_slice %arg5[%dma_start3A_48, %dma_start3A_49] : memref<10000x64xf32, #tpu.memory_space<hbm>> -> memref<10000x64xf32, #tpu.memory_space<hbm>>
      tpu.enqueue_indirect_dma source(%dma_start3A_50 : memref<10000x64xf32, #tpu.memory_space<hbm>>) target(%arg17 : memref<80x64xf32, #tpu.memory_space<vmem>>) offsets(%arg15 : memref<80xi32, #tpu.memory_space<vmem>>) semaphore(%arg24 : memref<!tpu.dma_semaphore, #tpu.memory_space<semaphore_mem>>)
      %dma_wait3A_51 = arith.constant 0 : i32
      %dma_wait3A_52 = arith.constant 0 : i32
      %dma_wait3A_53 = tpu.memref_slice %arg4[%dma_wait3A_51, %dma_wait3A_52] : memref<10000x64xf32, #tpu.memory_space<hbm>> -> memref<10000x64xf32, #tpu.memory_space<hbm>>
      tpu.wait_indirect_dma semaphore(%arg21 : memref<!tpu.dma_semaphore, #tpu.memory_space<semaphore_mem>>) src(%dma_wait3A_53 : memref<10000x64xf32, #tpu.memory_space<hbm>>) dst(%arg11 : memref<80x64xf32, #tpu.memory_space<vmem>>)
      %dma_wait3A_54 = arith.constant 0 : i32
      %dma_wait3A_55 = arith.constant 0 : i32
      %dma_wait3A_56 = tpu.memref_slice %arg5[%dma_wait3A_54, %dma_wait3A_55] : memref<10000x64xf32, #tpu.memory_space<hbm>> -> memref<10000x64xf32, #tpu.memory_space<hbm>>
      tpu.wait_indirect_dma semaphore(%arg22 : memref<!tpu.dma_semaphore, #tpu.memory_space<semaphore_mem>>) src(%dma_wait3A_56 : memref<10000x64xf32, #tpu.memory_space<hbm>>) dst(%arg12 : memref<80x64xf32, #tpu.memory_space<vmem>>)
      %scan3A_57 = arith.constant 0 : i32
      %scan3A_58 = arith.constant 80 : i32
      %scan3A_59 = arith.addi %scan3A_57, %scan3A_58 : i32
      %scan3A_60 = arith.constant 1 : i32
      scf.for %scan3A_84 = %scan3A_57 to %scan3A_59 step %scan3A_60  : i32 {
        %mul3A_85 = arith.constant 1 : i32
        %mul3A_86 = arith.muli %scan3A_84, %mul3A_85 : i32
        %add3A_87 = arith.constant 0 : i32
        %add3A_88 = arith.addi %add3A_87, %mul3A_86 : i32
        %get3A = arith.index_cast %add3A_88 : i32 to index
        %get3A_89 = arith.constant 0 : index
        %get3A_90 = tpu.vector_load %arg11[%get3A, %get3A_89] {strides = array<i32>} : memref<80x64xf32, #tpu.memory_space<vmem>>, vector<1x16xf32>,
        %get3A_91 = vector.shape_cast %get3A_90 : vector<1x16xf32> to vector<16xf32>
        %get3A_92 = arith.index_cast %add3A_88 : i32 to index
        %get3A_93 = arith.constant 0 : index
        %get3A_94 = tpu.vector_load %arg12[%get3A_92, %get3A_93] {strides = array<i32>} : memref<80x64xf32, #tpu.memory_space<vmem>>, vector<1x16xf32>,
        %get3A_95 = vector.shape_cast %get3A_94 : vector<1x16xf32> to vector<16xf32>
        %add3A_96 = arith.addf %get3A_91, %get3A_95 : vector<16xf32>
        %mul3A_97 = arith.constant 2.000000e-01 : f32
        %mul3A_98 = vector.broadcast %mul3A_97 : f32 to vector<16xf32>
        %mul3A_99 = arith.mulf %mul3A_98, %add3A_96 : vector<16xf32>
        %max3A = arith.maximumf %add3A_96, %mul3A_99 : vector<16xf32>
        %get3A_100 = arith.index_cast %add3A_88 : i32 to index
        %get3A_101 = arith.constant 16 : index
        %get3A_102 = tpu.vector_load %arg11[%get3A_100, %get3A_101] {strides = array<i32>} : memref<80x64xf32, #tpu.memory_space<vmem>>, vector<1x16xf32>,
        %get3A_103 = vector.shape_cast %get3A_102 : vector<1x16xf32> to vector<16xf32>
        %get3A_104 = arith.index_cast %add3A_88 : i32 to index
        %get3A_105 = arith.constant 16 : index
        %get3A_106 = tpu.vector_load %arg12[%get3A_104, %get3A_105] {strides = array<i32>} : memref<80x64xf32, #tpu.memory_space<vmem>>, vector<1x16xf32>,
        %get3A_107 = vector.shape_cast %get3A_106 : vector<1x16xf32> to vector<16xf32>
        %add3A_108 = arith.addf %get3A_103, %get3A_107 : vector<16xf32>
        %mul3A_109 = arith.constant 2.000000e-01 : f32
        %mul3A_110 = vector.broadcast %mul3A_109 : f32 to vector<16xf32>
        %mul3A_111 = arith.mulf %mul3A_110, %add3A_108 : vector<16xf32>
        %max3A_112 = arith.maximumf %add3A_108, %mul3A_111 : vector<16xf32>
        %get3A_113 = arith.index_cast %add3A_88 : i32 to index
        %get3A_114 = arith.constant 32 : index
        %get3A_115 = tpu.vector_load %arg11[%get3A_113, %get3A_114] {strides = array<i32>} : memref<80x64xf32, #tpu.memory_space<vmem>>, vector<1x16xf32>,
        %get3A_116 = vector.shape_cast %get3A_115 : vector<1x16xf32> to vector<16xf32>
        %get3A_117 = arith.index_cast %add3A_88 : i32 to index
        %get3A_118 = arith.constant 32 : index
        %get3A_119 = tpu.vector_load %arg12[%get3A_117, %get3A_118] {strides = array<i32>} : memref<80x64xf32, #tpu.memory_space<vmem>>, vector<1x16xf32>,
        %get3A_120 = vector.shape_cast %get3A_119 : vector<1x16xf32> to vector<16xf32>
        %add3A_121 = arith.addf %get3A_116, %get3A_120 : vector<16xf32>
        %mul3A_122 = arith.constant 2.000000e-01 : f32
        %mul3A_123 = vector.broadcast %mul3A_122 : f32 to vector<16xf32>
        %mul3A_124 = arith.mulf %mul3A_123, %add3A_121 : vector<16xf32>
        %max3A_125 = arith.maximumf %add3A_121, %mul3A_124 : vector<16xf32>
        %get3A_126 = arith.index_cast %add3A_88 : i32 to index
        %get3A_127 = arith.constant 48 : index
        %get3A_128 = tpu.vector_load %arg11[%get3A_126, %get3A_127] {strides = array<i32>} : memref<80x64xf32, #tpu.memory_space<vmem>>, vector<1x16xf32>,
        %get3A_129 = vector.shape_cast %get3A_128 : vector<1x16xf32> to vector<16xf32>
        %get3A_130 = arith.index_cast %add3A_88 : i32 to index
        %get3A_131 = arith.constant 48 : index
        %get3A_132 = tpu.vector_load %arg12[%get3A_130, %get3A_131] {strides = array<i32>} : memref<80x64xf32, #tpu.memory_space<vmem>>, vector<1x16xf32>,
        %get3A_133 = vector.shape_cast %get3A_132 : vector<1x16xf32> to vector<16xf32>
        %add3A_134 = arith.addf %get3A_129, %get3A_133 : vector<16xf32>
        %mul3A_135 = arith.constant 2.000000e-01 : f32
        %mul3A_136 = vector.broadcast %mul3A_135 : f32 to vector<16xf32>
        %mul3A_137 = arith.mulf %mul3A_136, %add3A_134 : vector<16xf32>
        %max3A_138 = arith.maximumf %add3A_134, %mul3A_137 : vector<16xf32>
        %bitcast_convert_type3A = tpu.bitcast %max3A : vector<16xf32> -> vector<16xi32>
        %add3A_139 = arith.constant 32767 : i32
        %add3A_140 = vector.broadcast %add3A_139 : i32 to vector<16xi32>
        %add3A_141 = arith.addi %bitcast_convert_type3A, %add3A_140 : vector<16xi32>
        %shift_right_logical3A = arith.constant 16 : i32
        %shift_right_logical3A_142 = vector.broadcast %shift_right_logical3A : i32 to vector<16xi32>
        %shift_right_logical3A_143 = arith.shrui %bitcast_convert_type3A, %shift_right_logical3A_142 : vector<16xi32>
        %and3A = arith.constant 1 : i32
        %and3A_144 = vector.broadcast %and3A : i32 to vector<16xi32>
        %and3A_145 = arith.andi %shift_right_logical3A_143, %and3A_144 : vector<16xi32>
        %add3A_146 = arith.addi %add3A_141, %and3A_145 : vector<16xi32>
        %and3A_147 = arith.constant -65536 : i32
        %and3A_148 = vector.broadcast %and3A_147 : i32 to vector<16xi32>
        %and3A_149 = arith.andi %add3A_146, %and3A_148 : vector<16xi32>
        %bitcast_convert_type3A_150 = tpu.bitcast %and3A_149 : vector<16xi32> -> vector<16xf32>
        %get3A_151 = arith.constant 0 : index
        %get3A_152 = tpu.vector_load %arg19[%get3A_151] {strides = array<i32>} : memref<64xf32, #tpu.memory_space<vmem>>, vector<16xf32>,
        %get3A_153 = vector.shape_cast %get3A_152 : vector<16xf32> to vector<16xf32>
        %mul3A_154 = arith.mulf %bitcast_convert_type3A_150, %get3A_153 : vector<16xf32>
        %bitcast_convert_type3A_155 = tpu.bitcast %max3A_112 : vector<16xf32> -> vector<16xi32>
        %add3A_156 = arith.constant 32767 : i32
        %add3A_157 = vector.broadcast %add3A_156 : i32 to vector<16xi32>
        %add3A_158 = arith.addi %bitcast_convert_type3A_155, %add3A_157 : vector<16xi32>
        %shift_right_logical3A_159 = arith.constant 16 : i32
        %shift_right_logical3A_160 = vector.broadcast %shift_right_logical3A_159 : i32 to vector<16xi32>
        %shift_right_logical3A_161 = arith.shrui %bitcast_convert_type3A_155, %shift_right_logical3A_160 : vector<16xi32>
        %and3A_162 = arith.constant 1 : i32
        %and3A_163 = vector.broadcast %and3A_162 : i32 to vector<16xi32>
        %and3A_164 = arith.andi %shift_right_logical3A_161, %and3A_163 : vector<16xi32>
        %add3A_165 = arith.addi %add3A_158, %and3A_164 : vector<16xi32>
        %and3A_166 = arith.constant -65536 : i32
        %and3A_167 = vector.broadcast %and3A_166 : i32 to vector<16xi32>
        %and3A_168 = arith.andi %add3A_165, %and3A_167 : vector<16xi32>
        %bitcast_convert_type3A_169 = tpu.bitcast %and3A_168 : vector<16xi32> -> vector<16xf32>
        %get3A_170 = arith.constant 16 : index
        %get3A_171 = tpu.vector_load %arg19[%get3A_170] {strides = array<i32>} : memref<64xf32, #tpu.memory_space<vmem>>, vector<16xf32>,
        %get3A_172 = vector.shape_cast %get3A_171 : vector<16xf32> to vector<16xf32>
        %mul3A_173 = arith.mulf %bitcast_convert_type3A_169, %get3A_172 : vector<16xf32>
        %add3A_174 = arith.addf %mul3A_154, %mul3A_173 : vector<16xf32>
        %bitcast_convert_type3A_175 = tpu.bitcast %max3A_125 : vector<16xf32> -> vector<16xi32>
        %add3A_176 = arith.constant 32767 : i32
        %add3A_177 = vector.broadcast %add3A_176 : i32 to vector<16xi32>
        %add3A_178 = arith.addi %bitcast_convert_type3A_175, %add3A_177 : vector<16xi32>
        %shift_right_logical3A_179 = arith.constant 16 : i32
        %shift_right_logical3A_180 = vector.broadcast %shift_right_logical3A_179 : i32 to vector<16xi32>
        %shift_right_logical3A_181 = arith.shrui %bitcast_convert_type3A_175, %shift_right_logical3A_180 : vector<16xi32>
        %and3A_182 = arith.constant 1 : i32
        %and3A_183 = vector.broadcast %and3A_182 : i32 to vector<16xi32>
        %and3A_184 = arith.andi %shift_right_logical3A_181, %and3A_183 : vector<16xi32>
        %add3A_185 = arith.addi %add3A_178, %and3A_184 : vector<16xi32>
        %and3A_186 = arith.constant -65536 : i32
        %and3A_187 = vector.broadcast %and3A_186 : i32 to vector<16xi32>
        %and3A_188 = arith.andi %add3A_185, %and3A_187 : vector<16xi32>
        %bitcast_convert_type3A_189 = tpu.bitcast %and3A_188 : vector<16xi32> -> vector<16xf32>
        %get3A_190 = arith.constant 32 : index
        %get3A_191 = tpu.vector_load %arg19[%get3A_190] {strides = array<i32>} : memref<64xf32, #tpu.memory_space<vmem>>, vector<16xf32>,
        %get3A_192 = vector.shape_cast %get3A_191 : vector<16xf32> to vector<16xf32>
        %mul3A_193 = arith.mulf %bitcast_convert_type3A_189, %get3A_192 : vector<16xf32>
        %add3A_194 = arith.addf %add3A_174, %mul3A_193 : vector<16xf32>
        %bitcast_convert_type3A_195 = tpu.bitcast %max3A_138 : vector<16xf32> -> vector<16xi32>
        %add3A_196 = arith.constant 32767 : i32
        %add3A_197 = vector.broadcast %add3A_196 : i32 to vector<16xi32>
        %add3A_198 = arith.addi %bitcast_convert_type3A_195, %add3A_197 : vector<16xi32>
        %shift_right_logical3A_199 = arith.constant 16 : i32
        %shift_right_logical3A_200 = vector.broadcast %shift_right_logical3A_199 : i32 to vector<16xi32>
        %shift_right_logical3A_201 = arith.shrui %bitcast_convert_type3A_195, %shift_right_logical3A_200 : vector<16xi32>
        %and3A_202 = arith.constant 1 : i32
        %and3A_203 = vector.broadcast %and3A_202 : i32 to vector<16xi32>
        %and3A_204 = arith.andi %shift_right_logical3A_201, %and3A_203 : vector<16xi32>
        %add3A_205 = arith.addi %add3A_198, %and3A_204 : vector<16xi32>
        %and3A_206 = arith.constant -65536 : i32
        %and3A_207 = vector.broadcast %and3A_206 : i32 to vector<16xi32>
        %and3A_208 = arith.andi %add3A_205, %and3A_207 : vector<16xi32>
        %bitcast_convert_type3A_209 = tpu.bitcast %and3A_208 : vector<16xi32> -> vector<16xf32>
        %get3A_210 = arith.constant 48 : index
        %get3A_211 = tpu.vector_load %arg19[%get3A_210] {strides = array<i32>} : memref<64xf32, #tpu.memory_space<vmem>>, vector<16xf32>,
        %get3A_212 = vector.shape_cast %get3A_211 : vector<16xf32> to vector<16xf32>
        %mul3A_213 = arith.mulf %bitcast_convert_type3A_209, %get3A_212 : vector<16xf32>
        %add3A_214 = arith.addf %add3A_194, %mul3A_213 : vector<16xf32>
        %iota3A = tpu.iota {dimensions = array<i32: 0>} : vector<16xi32>
        %xor3A = arith.constant 1 : i32
        %xor3A_215 = vector.broadcast %xor3A : i32 to vector<16xi32>
        %xor3A_216 = arith.xori %iota3A, %xor3A_215 : vector<16xi32>
        %broadcast_in_dim3A = vector.shape_cast %xor3A_216 : vector<16xi32> to vector<16x1xi32>
        %gather3A = vector.shape_cast %broadcast_in_dim3A : vector<16x1xi32> to vector<16xi32>
        %gather3A_217 = tpu.dynamic_gather %add3A_214[%gather3A] in [0] : vector<16xf32>, vector<16xi32> -> vector<16xf32>
        %add3A_218 = arith.addf %add3A_214, %gather3A_217 : vector<16xf32>
        %xor3A_219 = arith.constant 2 : i32
        %xor3A_220 = vector.broadcast %xor3A_219 : i32 to vector<16xi32>
        %xor3A_221 = arith.xori %iota3A, %xor3A_220 : vector<16xi32>
        %broadcast_in_dim3A_222 = vector.shape_cast %xor3A_221 : vector<16xi32> to vector<16x1xi32>
        %gather3A_223 = vector.shape_cast %broadcast_in_dim3A_222 : vector<16x1xi32> to vector<16xi32>
        %gather3A_224 = tpu.dynamic_gather %add3A_218[%gather3A_223] in [0] : vector<16xf32>, vector<16xi32> -> vector<16xf32>
        %add3A_225 = arith.addf %add3A_218, %gather3A_224 : vector<16xf32>
        %xor3A_226 = arith.constant 4 : i32
        %xor3A_227 = vector.broadcast %xor3A_226 : i32 to vector<16xi32>
        %xor3A_228 = arith.xori %iota3A, %xor3A_227 : vector<16xi32>
        %broadcast_in_dim3A_229 = vector.shape_cast %xor3A_228 : vector<16xi32> to vector<16x1xi32>
        %gather3A_230 = vector.shape_cast %broadcast_in_dim3A_229 : vector<16x1xi32> to vector<16xi32>
        %gather3A_231 = tpu.dynamic_gather %add3A_225[%gather3A_230] in [0] : vector<16xf32>, vector<16xi32> -> vector<16xf32>
        %add3A_232 = arith.addf %add3A_225, %gather3A_231 : vector<16xf32>
        %xor3A_233 = arith.constant 8 : i32
        %xor3A_234 = vector.broadcast %xor3A_233 : i32 to vector<16xi32>
        %xor3A_235 = arith.xori %iota3A, %xor3A_234 : vector<16xi32>
        %broadcast_in_dim3A_236 = vector.shape_cast %xor3A_235 : vector<16xi32> to vector<16x1xi32>
        %gather3A_237 = vector.shape_cast %broadcast_in_dim3A_236 : vector<16x1xi32> to vector<16xi32>
        %gather3A_238 = tpu.dynamic_gather %add3A_232[%gather3A_237] in [0] : vector<16xf32>, vector<16xi32> -> vector<16xf32>
        %add3A_239 = arith.addf %add3A_232, %gather3A_238 : vector<16xf32>
        %exp3A = math.exp %add3A_239 : vector<16xf32>
        %mul3A_240 = arith.mulf %exp3A, %get3A_91 : vector<16xf32>
        %swap3A = arith.index_cast %add3A_88 : i32 to index
        %swap3A_241 = arith.constant 0 : index
        %swap3A_242 = tpu.vector_load %arg13[%swap3A, %swap3A_241] {strides = array<i32>} : memref<80x80xf32, #tpu.memory_space<vmem>>, vector<1x16xf32>,
        %swap3A_243 = vector.shape_cast %swap3A_242 : vector<1x16xf32> to vector<16xf32>
        %swap3A_244 = vector.shape_cast %mul3A_240 : vector<16xf32> to vector<1x16xf32>
        tpu.vector_store %arg13[%swap3A, %swap3A_241], %swap3A_244 {strides = array<i32>} : memref<80x80xf32, #tpu.memory_space<vmem>>, vector<1x16xf32>,
        %mul3A_245 = arith.mulf %exp3A, %get3A_103 : vector<16xf32>
        %swap3A_246 = arith.index_cast %add3A_88 : i32 to index
        %swap3A_247 = arith.constant 16 : index
        %swap3A_248 = tpu.vector_load %arg13[%swap3A_246, %swap3A_247] {strides = array<i32>} : memref<80x80xf32, #tpu.memory_space<vmem>>, vector<1x16xf32>,
        %swap3A_249 = vector.shape_cast %swap3A_248 : vector<1x16xf32> to vector<16xf32>
        %swap3A_250 = vector.shape_cast %mul3A_245 : vector<16xf32> to vector<1x16xf32>
        tpu.vector_store %arg13[%swap3A_246, %swap3A_247], %swap3A_250 {strides = array<i32>} : memref<80x80xf32, #tpu.memory_space<vmem>>, vector<1x16xf32>,
        %mul3A_251 = arith.mulf %exp3A, %get3A_116 : vector<16xf32>
        %swap3A_252 = arith.index_cast %add3A_88 : i32 to index
        %swap3A_253 = arith.constant 32 : index
        %swap3A_254 = tpu.vector_load %arg13[%swap3A_252, %swap3A_253] {strides = array<i32>} : memref<80x80xf32, #tpu.memory_space<vmem>>, vector<1x16xf32>,
        %swap3A_255 = vector.shape_cast %swap3A_254 : vector<1x16xf32> to vector<16xf32>
        %swap3A_256 = vector.shape_cast %mul3A_251 : vector<16xf32> to vector<1x16xf32>
        tpu.vector_store %arg13[%swap3A_252, %swap3A_253], %swap3A_256 {strides = array<i32>} : memref<80x80xf32, #tpu.memory_space<vmem>>, vector<1x16xf32>,
        %mul3A_257 = arith.mulf %exp3A, %get3A_129 : vector<16xf32>
        %swap3A_258 = arith.index_cast %add3A_88 : i32 to index
        %swap3A_259 = arith.constant 48 : index
        %swap3A_260 = tpu.vector_load %arg13[%swap3A_258, %swap3A_259] {strides = array<i32>} : memref<80x80xf32, #tpu.memory_space<vmem>>, vector<1x16xf32>,
        %swap3A_261 = vector.shape_cast %swap3A_260 : vector<1x16xf32> to vector<16xf32>
        %swap3A_262 = vector.shape_cast %mul3A_257 : vector<16xf32> to vector<1x16xf32>
        tpu.vector_store %arg13[%swap3A_258, %swap3A_259], %swap3A_262 {strides = array<i32>} : memref<80x80xf32, #tpu.memory_space<vmem>>, vector<1x16xf32>,
        %swap3A_263 = arith.index_cast %add3A_88 : i32 to index
        %swap3A_264 = arith.constant 64 : index
        %swap3A_265 = tpu.vector_load %arg13[%swap3A_263, %swap3A_264] {strides = array<i32>} : memref<80x80xf32, #tpu.memory_space<vmem>>, vector<1x16xf32>,
        %swap3A_266 = vector.shape_cast %swap3A_265 : vector<1x16xf32> to vector<16xf32>
        %swap3A_267 = vector.shape_cast %exp3A : vector<16xf32> to vector<1x16xf32>
        tpu.vector_store %arg13[%swap3A_263, %swap3A_264], %swap3A_267 {strides = array<i32>} : memref<80x80xf32, #tpu.memory_space<vmem>>, vector<1x16xf32>,
      }
      %scan3A_61 = arith.constant 80 : i32
      "tpu.region"() ({
        %run_scoped3A = tpu.sem_alloc : memref<!tpu.dma_semaphore, #tpu.memory_space<semaphore_mem>>
        %dma_start3A_84 = arith.constant 0 : i32
        %dma_start3A_85 = arith.constant 0 : i32
        %dma_start3A_86 = tpu.memref_slice %arg20[%dma_start3A_84, %dma_start3A_85] : memref<10240x80xf32, #tpu.memory_space<vmem_shared>> -> memref<10240x80xf32, #tpu.memory_space<vmem_shared>>
        tpu.enqueue_indirect_dma source(%arg13 : memref<80x80xf32, #tpu.memory_space<vmem>>) target(%dma_start3A_86 : memref<10240x80xf32, #tpu.memory_space<vmem_shared>>) offsets(%arg10 : memref<80xi32, #tpu.memory_space<vmem>>) semaphore(%run_scoped3A : memref<!tpu.dma_semaphore, #tpu.memory_space<semaphore_mem>>) {add = true}
        %dma_wait3A_87 = arith.constant 0 : i32
        %dma_wait3A_88 = arith.constant 0 : i32
        %dma_wait3A_89 = tpu.memref_slice %arg20[%dma_wait3A_87, %dma_wait3A_88] : memref<10240x80xf32, #tpu.memory_space<vmem_shared>> -> memref<10240x80xf32, #tpu.memory_space<vmem_shared>>
        tpu.wait_indirect_dma semaphore(%run_scoped3A : memref<!tpu.dma_semaphore, #tpu.memory_space<semaphore_mem>>) src(%arg13 : memref<80x80xf32, #tpu.memory_space<vmem>>) dst(%dma_wait3A_89 : memref<10240x80xf32, #tpu.memory_space<vmem_shared>>)
        tpu.yield
      }) : () -> ()
      %add3A_62 = arith.constant 2 : i32
      %add3A_63 = arith.addi %mul3A_39, %add3A_62 : i32
      %mul3A_64 = arith.constant 80 : i32
      %mul3A_65 = arith.muli %add3A_63, %mul3A_64 : i32
      %add3A_66 = arith.addi %mul3A_6, %mul3A_65 : i32
      "tpu.region"() ({
        %run_scoped3A = tpu.sem_alloc : memref<!tpu.dma_semaphore, #tpu.memory_space<semaphore_mem>>
        %dma_start3A_84 = tpu.memref_slice %arg2[%add3A_66] : memref<320000xi32, #tpu.memory_space<hbm>> -> memref<80xi32, #tpu.memory_space<hbm>>
        %dma_start3A_85 = tpu.memref_slice %arg2[%add3A_66] : memref<320000xi32, #tpu.memory_space<hbm>> -> memref<80xi32, #tpu.memory_space<hbm>>
        tpu.enqueue_dma source(%dma_start3A_85 : memref<80xi32, #tpu.memory_space<hbm>>) target(%arg9 : memref<80xi32, #tpu.memory_space<vmem>>) target_semaphore(%run_scoped3A : memref<!tpu.dma_semaphore, #tpu.memory_space<semaphore_mem>>)
        %dma_wait3A_86 = tpu.memref_slice %arg2[%add3A_66] : memref<320000xi32, #tpu.memory_space<hbm>> -> memref<80xi32, #tpu.memory_space<hbm>>
        %dma_wait3A_87 = tpu.memref_slice %arg2[%add3A_66] : memref<320000xi32, #tpu.memory_space<hbm>> -> memref<80xi32, #tpu.memory_space<hbm>>
        tpu.wait_dma2 semaphore(%run_scoped3A : memref<!tpu.dma_semaphore, #tpu.memory_space<semaphore_mem>>) src(%dma_wait3A_87 : memref<80xi32, #tpu.memory_space<hbm>>) dst(%arg9 : memref<80xi32, #tpu.memory_space<vmem>>)
        tpu.yield
      }) : () -> ()
      "tpu.region"() ({
        %run_scoped3A = tpu.sem_alloc : memref<!tpu.dma_semaphore, #tpu.memory_space<semaphore_mem>>
        %dma_start3A_84 = tpu.memref_slice %arg3[%add3A_66] : memref<320000xi32, #tpu.memory_space<hbm>> -> memref<80xi32, #tpu.memory_space<hbm>>
        %dma_start3A_85 = tpu.memref_slice %arg3[%add3A_66] : memref<320000xi32, #tpu.memory_space<hbm>> -> memref<80xi32, #tpu.memory_space<hbm>>
        tpu.enqueue_dma source(%dma_start3A_85 : memref<80xi32, #tpu.memory_space<hbm>>) target(%arg10 : memref<80xi32, #tpu.memory_space<vmem>>) target_semaphore(%run_scoped3A : memref<!tpu.dma_semaphore, #tpu.memory_space<semaphore_mem>>)
        %dma_wait3A_86 = tpu.memref_slice %arg3[%add3A_66] : memref<320000xi32, #tpu.memory_space<hbm>> -> memref<80xi32, #tpu.memory_space<hbm>>
        %dma_wait3A_87 = tpu.memref_slice %arg3[%add3A_66] : memref<320000xi32, #tpu.memory_space<hbm>> -> memref<80xi32, #tpu.memory_space<hbm>>
        tpu.wait_dma2 semaphore(%run_scoped3A : memref<!tpu.dma_semaphore, #tpu.memory_space<semaphore_mem>>) src(%dma_wait3A_87 : memref<80xi32, #tpu.memory_space<hbm>>) dst(%arg10 : memref<80xi32, #tpu.memory_space<vmem>>)
        tpu.yield
      }) : () -> ()
      %dma_start3A_67 = arith.constant 0 : i32
      %dma_start3A_68 = arith.constant 0 : i32
      %dma_start3A_69 = tpu.memref_slice %arg4[%dma_start3A_67, %dma_start3A_68] : memref<10000x64xf32, #tpu.memory_space<hbm>> -> memref<10000x64xf32, #tpu.memory_space<hbm>>
      tpu.enqueue_indirect_dma source(%dma_start3A_69 : memref<10000x64xf32, #tpu.memory_space<hbm>>) target(%arg11 : memref<80x64xf32, #tpu.memory_space<vmem>>) offsets(%arg9 : memref<80xi32, #tpu.memory_space<vmem>>) semaphore(%arg21 : memref<!tpu.dma_semaphore, #tpu.memory_space<semaphore_mem>>)
      %dma_start3A_70 = arith.constant 0 : i32
      %dma_start3A_71 = arith.constant 0 : i32
      %dma_start3A_72 = tpu.memref_slice %arg5[%dma_start3A_70, %dma_start3A_71] : memref<10000x64xf32, #tpu.memory_space<hbm>> -> memref<10000x64xf32, #tpu.memory_space<hbm>>
      tpu.enqueue_indirect_dma source(%dma_start3A_72 : memref<10000x64xf32, #tpu.memory_space<hbm>>) target(%arg12 : memref<80x64xf32, #tpu.memory_space<vmem>>) offsets(%arg10 : memref<80xi32, #tpu.memory_space<vmem>>) semaphore(%arg22 : memref<!tpu.dma_semaphore, #tpu.memory_space<semaphore_mem>>)
      %dma_wait3A_73 = arith.constant 0 : i32
      %dma_wait3A_74 = arith.constant 0 : i32
      %dma_wait3A_75 = tpu.memref_slice %arg4[%dma_wait3A_73, %dma_wait3A_74] : memref<10000x64xf32, #tpu.memory_space<hbm>> -> memref<10000x64xf32, #tpu.memory_space<hbm>>
      tpu.wait_indirect_dma semaphore(%arg23 : memref<!tpu.dma_semaphore, #tpu.memory_space<semaphore_mem>>) src(%dma_wait3A_75 : memref<10000x64xf32, #tpu.memory_space<hbm>>) dst(%arg16 : memref<80x64xf32, #tpu.memory_space<vmem>>)
      %dma_wait3A_76 = arith.constant 0 : i32
      %dma_wait3A_77 = arith.constant 0 : i32
      %dma_wait3A_78 = tpu.memref_slice %arg5[%dma_wait3A_76, %dma_wait3A_77] : memref<10000x64xf32, #tpu.memory_space<hbm>> -> memref<10000x64xf32, #tpu.memory_space<hbm>>
      tpu.wait_indirect_dma semaphore(%arg24 : memref<!tpu.dma_semaphore, #tpu.memory_space<semaphore_mem>>) src(%dma_wait3A_78 : memref<10000x64xf32, #tpu.memory_space<hbm>>) dst(%arg17 : memref<80x64xf32, #tpu.memory_space<vmem>>)
      %scan3A_79 = arith.constant 0 : i32
      %scan3A_80 = arith.constant 80 : i32
      %scan3A_81 = arith.addi %scan3A_79, %scan3A_80 : i32
      %scan3A_82 = arith.constant 1 : i32
      scf.for %scan3A_84 = %scan3A_79 to %scan3A_81 step %scan3A_82  : i32 {
        %mul3A_85 = arith.constant 1 : i32
        %mul3A_86 = arith.muli %scan3A_84, %mul3A_85 : i32
        %add3A_87 = arith.constant 0 : i32
        %add3A_88 = arith.addi %add3A_87, %mul3A_86 : i32
        %get3A = arith.index_cast %add3A_88 : i32 to index
        %get3A_89 = arith.constant 0 : index
        %get3A_90 = tpu.vector_load %arg16[%get3A, %get3A_89] {strides = array<i32>} : memref<80x64xf32, #tpu.memory_space<vmem>>, vector<1x16xf32>,
        %get3A_91 = vector.shape_cast %get3A_90 : vector<1x16xf32> to vector<16xf32>
        %get3A_92 = arith.index_cast %add3A_88 : i32 to index
        %get3A_93 = arith.constant 0 : index
        %get3A_94 = tpu.vector_load %arg17[%get3A_92, %get3A_93] {strides = array<i32>} : memref<80x64xf32, #tpu.memory_space<vmem>>, vector<1x16xf32>,
        %get3A_95 = vector.shape_cast %get3A_94 : vector<1x16xf32> to vector<16xf32>
        %add3A_96 = arith.addf %get3A_91, %get3A_95 : vector<16xf32>
        %mul3A_97 = arith.constant 2.000000e-01 : f32
        %mul3A_98 = vector.broadcast %mul3A_97 : f32 to vector<16xf32>
        %mul3A_99 = arith.mulf %mul3A_98, %add3A_96 : vector<16xf32>
        %max3A = arith.maximumf %add3A_96, %mul3A_99 : vector<16xf32>
        %get3A_100 = arith.index_cast %add3A_88 : i32 to index
        %get3A_101 = arith.constant 16 : index
        %get3A_102 = tpu.vector_load %arg16[%get3A_100, %get3A_101] {strides = array<i32>} : memref<80x64xf32, #tpu.memory_space<vmem>>, vector<1x16xf32>,
        %get3A_103 = vector.shape_cast %get3A_102 : vector<1x16xf32> to vector<16xf32>
        %get3A_104 = arith.index_cast %add3A_88 : i32 to index
        %get3A_105 = arith.constant 16 : index
        %get3A_106 = tpu.vector_load %arg17[%get3A_104, %get3A_105] {strides = array<i32>} : memref<80x64xf32, #tpu.memory_space<vmem>>, vector<1x16xf32>,
        %get3A_107 = vector.shape_cast %get3A_106 : vector<1x16xf32> to vector<16xf32>
        %add3A_108 = arith.addf %get3A_103, %get3A_107 : vector<16xf32>
        %mul3A_109 = arith.constant 2.000000e-01 : f32
        %mul3A_110 = vector.broadcast %mul3A_109 : f32 to vector<16xf32>
        %mul3A_111 = arith.mulf %mul3A_110, %add3A_108 : vector<16xf32>
        %max3A_112 = arith.maximumf %add3A_108, %mul3A_111 : vector<16xf32>
        %get3A_113 = arith.index_cast %add3A_88 : i32 to index
        %get3A_114 = arith.constant 32 : index
        %get3A_115 = tpu.vector_load %arg16[%get3A_113, %get3A_114] {strides = array<i32>} : memref<80x64xf32, #tpu.memory_space<vmem>>, vector<1x16xf32>,
        %get3A_116 = vector.shape_cast %get3A_115 : vector<1x16xf32> to vector<16xf32>
        %get3A_117 = arith.index_cast %add3A_88 : i32 to index
        %get3A_118 = arith.constant 32 : index
        %get3A_119 = tpu.vector_load %arg17[%get3A_117, %get3A_118] {strides = array<i32>} : memref<80x64xf32, #tpu.memory_space<vmem>>, vector<1x16xf32>,
        %get3A_120 = vector.shape_cast %get3A_119 : vector<1x16xf32> to vector<16xf32>
        %add3A_121 = arith.addf %get3A_116, %get3A_120 : vector<16xf32>
        %mul3A_122 = arith.constant 2.000000e-01 : f32
        %mul3A_123 = vector.broadcast %mul3A_122 : f32 to vector<16xf32>
        %mul3A_124 = arith.mulf %mul3A_123, %add3A_121 : vector<16xf32>
        %max3A_125 = arith.maximumf %add3A_121, %mul3A_124 : vector<16xf32>
        %get3A_126 = arith.index_cast %add3A_88 : i32 to index
        %get3A_127 = arith.constant 48 : index
        %get3A_128 = tpu.vector_load %arg16[%get3A_126, %get3A_127] {strides = array<i32>} : memref<80x64xf32, #tpu.memory_space<vmem>>, vector<1x16xf32>,
        %get3A_129 = vector.shape_cast %get3A_128 : vector<1x16xf32> to vector<16xf32>
        %get3A_130 = arith.index_cast %add3A_88 : i32 to index
        %get3A_131 = arith.constant 48 : index
        %get3A_132 = tpu.vector_load %arg17[%get3A_130, %get3A_131] {strides = array<i32>} : memref<80x64xf32, #tpu.memory_space<vmem>>, vector<1x16xf32>,
        %get3A_133 = vector.shape_cast %get3A_132 : vector<1x16xf32> to vector<16xf32>
        %add3A_134 = arith.addf %get3A_129, %get3A_133 : vector<16xf32>
        %mul3A_135 = arith.constant 2.000000e-01 : f32
        %mul3A_136 = vector.broadcast %mul3A_135 : f32 to vector<16xf32>
        %mul3A_137 = arith.mulf %mul3A_136, %add3A_134 : vector<16xf32>
        %max3A_138 = arith.maximumf %add3A_134, %mul3A_137 : vector<16xf32>
        %bitcast_convert_type3A = tpu.bitcast %max3A : vector<16xf32> -> vector<16xi32>
        %add3A_139 = arith.constant 32767 : i32
        %add3A_140 = vector.broadcast %add3A_139 : i32 to vector<16xi32>
        %add3A_141 = arith.addi %bitcast_convert_type3A, %add3A_140 : vector<16xi32>
        %shift_right_logical3A = arith.constant 16 : i32
        %shift_right_logical3A_142 = vector.broadcast %shift_right_logical3A : i32 to vector<16xi32>
        %shift_right_logical3A_143 = arith.shrui %bitcast_convert_type3A, %shift_right_logical3A_142 : vector<16xi32>
        %and3A = arith.constant 1 : i32
        %and3A_144 = vector.broadcast %and3A : i32 to vector<16xi32>
        %and3A_145 = arith.andi %shift_right_logical3A_143, %and3A_144 : vector<16xi32>
        %add3A_146 = arith.addi %add3A_141, %and3A_145 : vector<16xi32>
        %and3A_147 = arith.constant -65536 : i32
        %and3A_148 = vector.broadcast %and3A_147 : i32 to vector<16xi32>
        %and3A_149 = arith.andi %add3A_146, %and3A_148 : vector<16xi32>
        %bitcast_convert_type3A_150 = tpu.bitcast %and3A_149 : vector<16xi32> -> vector<16xf32>
        %get3A_151 = arith.constant 0 : index
        %get3A_152 = tpu.vector_load %arg19[%get3A_151] {strides = array<i32>} : memref<64xf32, #tpu.memory_space<vmem>>, vector<16xf32>,
        %get3A_153 = vector.shape_cast %get3A_152 : vector<16xf32> to vector<16xf32>
        %mul3A_154 = arith.mulf %bitcast_convert_type3A_150, %get3A_153 : vector<16xf32>
        %bitcast_convert_type3A_155 = tpu.bitcast %max3A_112 : vector<16xf32> -> vector<16xi32>
        %add3A_156 = arith.constant 32767 : i32
        %add3A_157 = vector.broadcast %add3A_156 : i32 to vector<16xi32>
        %add3A_158 = arith.addi %bitcast_convert_type3A_155, %add3A_157 : vector<16xi32>
        %shift_right_logical3A_159 = arith.constant 16 : i32
        %shift_right_logical3A_160 = vector.broadcast %shift_right_logical3A_159 : i32 to vector<16xi32>
        %shift_right_logical3A_161 = arith.shrui %bitcast_convert_type3A_155, %shift_right_logical3A_160 : vector<16xi32>
        %and3A_162 = arith.constant 1 : i32
        %and3A_163 = vector.broadcast %and3A_162 : i32 to vector<16xi32>
        %and3A_164 = arith.andi %shift_right_logical3A_161, %and3A_163 : vector<16xi32>
        %add3A_165 = arith.addi %add3A_158, %and3A_164 : vector<16xi32>
        %and3A_166 = arith.constant -65536 : i32
        %and3A_167 = vector.broadcast %and3A_166 : i32 to vector<16xi32>
        %and3A_168 = arith.andi %add3A_165, %and3A_167 : vector<16xi32>
        %bitcast_convert_type3A_169 = tpu.bitcast %and3A_168 : vector<16xi32> -> vector<16xf32>
        %get3A_170 = arith.constant 16 : index
        %get3A_171 = tpu.vector_load %arg19[%get3A_170] {strides = array<i32>} : memref<64xf32, #tpu.memory_space<vmem>>, vector<16xf32>,
        %get3A_172 = vector.shape_cast %get3A_171 : vector<16xf32> to vector<16xf32>
        %mul3A_173 = arith.mulf %bitcast_convert_type3A_169, %get3A_172 : vector<16xf32>
        %add3A_174 = arith.addf %mul3A_154, %mul3A_173 : vector<16xf32>
        %bitcast_convert_type3A_175 = tpu.bitcast %max3A_125 : vector<16xf32> -> vector<16xi32>
        %add3A_176 = arith.constant 32767 : i32
        %add3A_177 = vector.broadcast %add3A_176 : i32 to vector<16xi32>
        %add3A_178 = arith.addi %bitcast_convert_type3A_175, %add3A_177 : vector<16xi32>
        %shift_right_logical3A_179 = arith.constant 16 : i32
        %shift_right_logical3A_180 = vector.broadcast %shift_right_logical3A_179 : i32 to vector<16xi32>
        %shift_right_logical3A_181 = arith.shrui %bitcast_convert_type3A_175, %shift_right_logical3A_180 : vector<16xi32>
        %and3A_182 = arith.constant 1 : i32
        %and3A_183 = vector.broadcast %and3A_182 : i32 to vector<16xi32>
        %and3A_184 = arith.andi %shift_right_logical3A_181, %and3A_183 : vector<16xi32>
        %add3A_185 = arith.addi %add3A_178, %and3A_184 : vector<16xi32>
        %and3A_186 = arith.constant -65536 : i32
        %and3A_187 = vector.broadcast %and3A_186 : i32 to vector<16xi32>
        %and3A_188 = arith.andi %add3A_185, %and3A_187 : vector<16xi32>
        %bitcast_convert_type3A_189 = tpu.bitcast %and3A_188 : vector<16xi32> -> vector<16xf32>
        %get3A_190 = arith.constant 32 : index
        %get3A_191 = tpu.vector_load %arg19[%get3A_190] {strides = array<i32>} : memref<64xf32, #tpu.memory_space<vmem>>, vector<16xf32>,
        %get3A_192 = vector.shape_cast %get3A_191 : vector<16xf32> to vector<16xf32>
        %mul3A_193 = arith.mulf %bitcast_convert_type3A_189, %get3A_192 : vector<16xf32>
        %add3A_194 = arith.addf %add3A_174, %mul3A_193 : vector<16xf32>
        %bitcast_convert_type3A_195 = tpu.bitcast %max3A_138 : vector<16xf32> -> vector<16xi32>
        %add3A_196 = arith.constant 32767 : i32
        %add3A_197 = vector.broadcast %add3A_196 : i32 to vector<16xi32>
        %add3A_198 = arith.addi %bitcast_convert_type3A_195, %add3A_197 : vector<16xi32>
        %shift_right_logical3A_199 = arith.constant 16 : i32
        %shift_right_logical3A_200 = vector.broadcast %shift_right_logical3A_199 : i32 to vector<16xi32>
        %shift_right_logical3A_201 = arith.shrui %bitcast_convert_type3A_195, %shift_right_logical3A_200 : vector<16xi32>
        %and3A_202 = arith.constant 1 : i32
        %and3A_203 = vector.broadcast %and3A_202 : i32 to vector<16xi32>
        %and3A_204 = arith.andi %shift_right_logical3A_201, %and3A_203 : vector<16xi32>
        %add3A_205 = arith.addi %add3A_198, %and3A_204 : vector<16xi32>
        %and3A_206 = arith.constant -65536 : i32
        %and3A_207 = vector.broadcast %and3A_206 : i32 to vector<16xi32>
        %and3A_208 = arith.andi %add3A_205, %and3A_207 : vector<16xi32>
        %bitcast_convert_type3A_209 = tpu.bitcast %and3A_208 : vector<16xi32> -> vector<16xf32>
        %get3A_210 = arith.constant 48 : index
        %get3A_211 = tpu.vector_load %arg19[%get3A_210] {strides = array<i32>} : memref<64xf32, #tpu.memory_space<vmem>>, vector<16xf32>,
        %get3A_212 = vector.shape_cast %get3A_211 : vector<16xf32> to vector<16xf32>
        %mul3A_213 = arith.mulf %bitcast_convert_type3A_209, %get3A_212 : vector<16xf32>
        %add3A_214 = arith.addf %add3A_194, %mul3A_213 : vector<16xf32>
        %iota3A = tpu.iota {dimensions = array<i32: 0>} : vector<16xi32>
        %xor3A = arith.constant 1 : i32
        %xor3A_215 = vector.broadcast %xor3A : i32 to vector<16xi32>
        %xor3A_216 = arith.xori %iota3A, %xor3A_215 : vector<16xi32>
        %broadcast_in_dim3A = vector.shape_cast %xor3A_216 : vector<16xi32> to vector<16x1xi32>
        %gather3A = vector.shape_cast %broadcast_in_dim3A : vector<16x1xi32> to vector<16xi32>
        %gather3A_217 = tpu.dynamic_gather %add3A_214[%gather3A] in [0] : vector<16xf32>, vector<16xi32> -> vector<16xf32>
        %add3A_218 = arith.addf %add3A_214, %gather3A_217 : vector<16xf32>
        %xor3A_219 = arith.constant 2 : i32
        %xor3A_220 = vector.broadcast %xor3A_219 : i32 to vector<16xi32>
        %xor3A_221 = arith.xori %iota3A, %xor3A_220 : vector<16xi32>
        %broadcast_in_dim3A_222 = vector.shape_cast %xor3A_221 : vector<16xi32> to vector<16x1xi32>
        %gather3A_223 = vector.shape_cast %broadcast_in_dim3A_222 : vector<16x1xi32> to vector<16xi32>
        %gather3A_224 = tpu.dynamic_gather %add3A_218[%gather3A_223] in [0] : vector<16xf32>, vector<16xi32> -> vector<16xf32>
        %add3A_225 = arith.addf %add3A_218, %gather3A_224 : vector<16xf32>
        %xor3A_226 = arith.constant 4 : i32
        %xor3A_227 = vector.broadcast %xor3A_226 : i32 to vector<16xi32>
        %xor3A_228 = arith.xori %iota3A, %xor3A_227 : vector<16xi32>
        %broadcast_in_dim3A_229 = vector.shape_cast %xor3A_228 : vector<16xi32> to vector<16x1xi32>
        %gather3A_230 = vector.shape_cast %broadcast_in_dim3A_229 : vector<16x1xi32> to vector<16xi32>
        %gather3A_231 = tpu.dynamic_gather %add3A_225[%gather3A_230] in [0] : vector<16xf32>, vector<16xi32> -> vector<16xf32>
        %add3A_232 = arith.addf %add3A_225, %gather3A_231 : vector<16xf32>
        %xor3A_233 = arith.constant 8 : i32
        %xor3A_234 = vector.broadcast %xor3A_233 : i32 to vector<16xi32>
        %xor3A_235 = arith.xori %iota3A, %xor3A_234 : vector<16xi32>
        %broadcast_in_dim3A_236 = vector.shape_cast %xor3A_235 : vector<16xi32> to vector<16x1xi32>
        %gather3A_237 = vector.shape_cast %broadcast_in_dim3A_236 : vector<16x1xi32> to vector<16xi32>
        %gather3A_238 = tpu.dynamic_gather %add3A_232[%gather3A_237] in [0] : vector<16xf32>, vector<16xi32> -> vector<16xf32>
        %add3A_239 = arith.addf %add3A_232, %gather3A_238 : vector<16xf32>
        %exp3A = math.exp %add3A_239 : vector<16xf32>
        %mul3A_240 = arith.mulf %exp3A, %get3A_91 : vector<16xf32>
        %swap3A = arith.index_cast %add3A_88 : i32 to index
        %swap3A_241 = arith.constant 0 : index
        %swap3A_242 = tpu.vector_load %arg18[%swap3A, %swap3A_241] {strides = array<i32>} : memref<80x80xf32, #tpu.memory_space<vmem>>, vector<1x16xf32>,
        %swap3A_243 = vector.shape_cast %swap3A_242 : vector<1x16xf32> to vector<16xf32>
        %swap3A_244 = vector.shape_cast %mul3A_240 : vector<16xf32> to vector<1x16xf32>
        tpu.vector_store %arg18[%swap3A, %swap3A_241], %swap3A_244 {strides = array<i32>} : memref<80x80xf32, #tpu.memory_space<vmem>>, vector<1x16xf32>,
        %mul3A_245 = arith.mulf %exp3A, %get3A_103 : vector<16xf32>
        %swap3A_246 = arith.index_cast %add3A_88 : i32 to index
        %swap3A_247 = arith.constant 16 : index
        %swap3A_248 = tpu.vector_load %arg18[%swap3A_246, %swap3A_247] {strides = array<i32>} : memref<80x80xf32, #tpu.memory_space<vmem>>, vector<1x16xf32>,
        %swap3A_249 = vector.shape_cast %swap3A_248 : vector<1x16xf32> to vector<16xf32>
        %swap3A_250 = vector.shape_cast %mul3A_245 : vector<16xf32> to vector<1x16xf32>
        tpu.vector_store %arg18[%swap3A_246, %swap3A_247], %swap3A_250 {strides = array<i32>} : memref<80x80xf32, #tpu.memory_space<vmem>>, vector<1x16xf32>,
        %mul3A_251 = arith.mulf %exp3A, %get3A_116 : vector<16xf32>
        %swap3A_252 = arith.index_cast %add3A_88 : i32 to index
        %swap3A_253 = arith.constant 32 : index
        %swap3A_254 = tpu.vector_load %arg18[%swap3A_252, %swap3A_253] {strides = array<i32>} : memref<80x80xf32, #tpu.memory_space<vmem>>, vector<1x16xf32>,
        %swap3A_255 = vector.shape_cast %swap3A_254 : vector<1x16xf32> to vector<16xf32>
        %swap3A_256 = vector.shape_cast %mul3A_251 : vector<16xf32> to vector<1x16xf32>
        tpu.vector_store %arg18[%swap3A_252, %swap3A_253], %swap3A_256 {strides = array<i32>} : memref<80x80xf32, #tpu.memory_space<vmem>>, vector<1x16xf32>,
        %mul3A_257 = arith.mulf %exp3A, %get3A_129 : vector<16xf32>
        %swap3A_258 = arith.index_cast %add3A_88 : i32 to index
        %swap3A_259 = arith.constant 48 : index
        %swap3A_260 = tpu.vector_load %arg18[%swap3A_258, %swap3A_259] {strides = array<i32>} : memref<80x80xf32, #tpu.memory_space<vmem>>, vector<1x16xf32>,
        %swap3A_261 = vector.shape_cast %swap3A_260 : vector<1x16xf32> to vector<16xf32>
        %swap3A_262 = vector.shape_cast %mul3A_257 : vector<16xf32> to vector<1x16xf32>
        tpu.vector_store %arg18[%swap3A_258, %swap3A_259], %swap3A_262 {strides = array<i32>} : memref<80x80xf32, #tpu.memory_space<vmem>>, vector<1x16xf32>,
        %swap3A_263 = arith.index_cast %add3A_88 : i32 to index
        %swap3A_264 = arith.constant 64 : index
        %swap3A_265 = tpu.vector_load %arg18[%swap3A_263, %swap3A_264] {strides = array<i32>} : memref<80x80xf32, #tpu.memory_space<vmem>>, vector<1x16xf32>,
        %swap3A_266 = vector.shape_cast %swap3A_265 : vector<1x16xf32> to vector<16xf32>
        %swap3A_267 = vector.shape_cast %exp3A : vector<16xf32> to vector<1x16xf32>
        tpu.vector_store %arg18[%swap3A_263, %swap3A_264], %swap3A_267 {strides = array<i32>} : memref<80x80xf32, #tpu.memory_space<vmem>>, vector<1x16xf32>,
      }
      %scan3A_83 = arith.constant 80 : i32
      "tpu.region"() ({
        %run_scoped3A = tpu.sem_alloc : memref<!tpu.dma_semaphore, #tpu.memory_space<semaphore_mem>>
        %dma_start3A_84 = arith.constant 0 : i32
        %dma_start3A_85 = arith.constant 0 : i32
        %dma_start3A_86 = tpu.memref_slice %arg20[%dma_start3A_84, %dma_start3A_85] : memref<10240x80xf32, #tpu.memory_space<vmem_shared>> -> memref<10240x80xf32, #tpu.memory_space<vmem_shared>>
        tpu.enqueue_indirect_dma source(%arg18 : memref<80x80xf32, #tpu.memory_space<vmem>>) target(%dma_start3A_86 : memref<10240x80xf32, #tpu.memory_space<vmem_shared>>) offsets(%arg15 : memref<80xi32, #tpu.memory_space<vmem>>) semaphore(%run_scoped3A : memref<!tpu.dma_semaphore, #tpu.memory_space<semaphore_mem>>) {add = true}
        %dma_wait3A_87 = arith.constant 0 : i32
        %dma_wait3A_88 = arith.constant 0 : i32
        %dma_wait3A_89 = tpu.memref_slice %arg20[%dma_wait3A_87, %dma_wait3A_88] : memref<10240x80xf32, #tpu.memory_space<vmem_shared>> -> memref<10240x80xf32, #tpu.memory_space<vmem_shared>>
        tpu.wait_indirect_dma semaphore(%run_scoped3A : memref<!tpu.dma_semaphore, #tpu.memory_space<semaphore_mem>>) src(%arg18 : memref<80x80xf32, #tpu.memory_space<vmem>>) dst(%dma_wait3A_89 : memref<10240x80xf32, #tpu.memory_space<vmem_shared>>)
        tpu.yield
      }) : () -> ()
    }
    %scan3A_17 = arith.constant 62 : i32
    %dma_wait3A = arith.constant 0 : i32
    %dma_wait3A_18 = arith.constant 0 : i32
    %dma_wait3A_19 = tpu.memref_slice %arg4[%dma_wait3A, %dma_wait3A_18] : memref<10000x64xf32, #tpu.memory_space<hbm>> -> memref<10000x64xf32, #tpu.memory_space<hbm>>
    tpu.wait_indirect_dma semaphore(%arg21 : memref<!tpu.dma_semaphore, #tpu.memory_space<semaphore_mem>>) src(%dma_wait3A_19 : memref<10000x64xf32, #tpu.memory_space<hbm>>) dst(%arg11 : memref<80x64xf32, #tpu.memory_space<vmem>>)
    %dma_wait3A_20 = arith.constant 0 : i32
    %dma_wait3A_21 = arith.constant 0 : i32
    %dma_wait3A_22 = tpu.memref_slice %arg5[%dma_wait3A_20, %dma_wait3A_21] : memref<10000x64xf32, #tpu.memory_space<hbm>> -> memref<10000x64xf32, #tpu.memory_space<hbm>>
    tpu.wait_indirect_dma semaphore(%arg22 : memref<!tpu.dma_semaphore, #tpu.memory_space<semaphore_mem>>) src(%dma_wait3A_22 : memref<10000x64xf32, #tpu.memory_space<hbm>>) dst(%arg12 : memref<80x64xf32, #tpu.memory_space<vmem>>)
    %scan3A_23 = arith.constant 0 : i32
    %scan3A_24 = arith.constant 80 : i32
    %scan3A_25 = arith.addi %scan3A_23, %scan3A_24 : i32
    %scan3A_26 = arith.constant 1 : i32
    scf.for %scan3A_33 = %scan3A_23 to %scan3A_25 step %scan3A_26  : i32 {
      %mul3A_34 = arith.constant 1 : i32
      %mul3A_35 = arith.muli %scan3A_33, %mul3A_34 : i32
      %add3A_36 = arith.constant 0 : i32
      %add3A_37 = arith.addi %add3A_36, %mul3A_35 : i32
      %get3A = arith.index_cast %add3A_37 : i32 to index
      %get3A_38 = arith.constant 0 : index
      %get3A_39 = tpu.vector_load %arg11[%get3A, %get3A_38] {strides = array<i32>} : memref<80x64xf32, #tpu.memory_space<vmem>>, vector<1x16xf32>,
      %get3A_40 = vector.shape_cast %get3A_39 : vector<1x16xf32> to vector<16xf32>
      %get3A_41 = arith.index_cast %add3A_37 : i32 to index
      %get3A_42 = arith.constant 0 : index
      %get3A_43 = tpu.vector_load %arg12[%get3A_41, %get3A_42] {strides = array<i32>} : memref<80x64xf32, #tpu.memory_space<vmem>>, vector<1x16xf32>,
      %get3A_44 = vector.shape_cast %get3A_43 : vector<1x16xf32> to vector<16xf32>
      %add3A_45 = arith.addf %get3A_40, %get3A_44 : vector<16xf32>
      %mul3A_46 = arith.constant 2.000000e-01 : f32
      %mul3A_47 = vector.broadcast %mul3A_46 : f32 to vector<16xf32>
      %mul3A_48 = arith.mulf %mul3A_47, %add3A_45 : vector<16xf32>
      %max3A = arith.maximumf %add3A_45, %mul3A_48 : vector<16xf32>
      %get3A_49 = arith.index_cast %add3A_37 : i32 to index
      %get3A_50 = arith.constant 16 : index
      %get3A_51 = tpu.vector_load %arg11[%get3A_49, %get3A_50] {strides = array<i32>} : memref<80x64xf32, #tpu.memory_space<vmem>>, vector<1x16xf32>,
      %get3A_52 = vector.shape_cast %get3A_51 : vector<1x16xf32> to vector<16xf32>
      %get3A_53 = arith.index_cast %add3A_37 : i32 to index
      %get3A_54 = arith.constant 16 : index
      %get3A_55 = tpu.vector_load %arg12[%get3A_53, %get3A_54] {strides = array<i32>} : memref<80x64xf32, #tpu.memory_space<vmem>>, vector<1x16xf32>,
      %get3A_56 = vector.shape_cast %get3A_55 : vector<1x16xf32> to vector<16xf32>
      %add3A_57 = arith.addf %get3A_52, %get3A_56 : vector<16xf32>
      %mul3A_58 = arith.constant 2.000000e-01 : f32
      %mul3A_59 = vector.broadcast %mul3A_58 : f32 to vector<16xf32>
      %mul3A_60 = arith.mulf %mul3A_59, %add3A_57 : vector<16xf32>
      %max3A_61 = arith.maximumf %add3A_57, %mul3A_60 : vector<16xf32>
      %get3A_62 = arith.index_cast %add3A_37 : i32 to index
      %get3A_63 = arith.constant 32 : index
      %get3A_64 = tpu.vector_load %arg11[%get3A_62, %get3A_63] {strides = array<i32>} : memref<80x64xf32, #tpu.memory_space<vmem>>, vector<1x16xf32>,
      %get3A_65 = vector.shape_cast %get3A_64 : vector<1x16xf32> to vector<16xf32>
      %get3A_66 = arith.index_cast %add3A_37 : i32 to index
      %get3A_67 = arith.constant 32 : index
      %get3A_68 = tpu.vector_load %arg12[%get3A_66, %get3A_67] {strides = array<i32>} : memref<80x64xf32, #tpu.memory_space<vmem>>, vector<1x16xf32>,
      %get3A_69 = vector.shape_cast %get3A_68 : vector<1x16xf32> to vector<16xf32>
      %add3A_70 = arith.addf %get3A_65, %get3A_69 : vector<16xf32>
      %mul3A_71 = arith.constant 2.000000e-01 : f32
      %mul3A_72 = vector.broadcast %mul3A_71 : f32 to vector<16xf32>
      %mul3A_73 = arith.mulf %mul3A_72, %add3A_70 : vector<16xf32>
      %max3A_74 = arith.maximumf %add3A_70, %mul3A_73 : vector<16xf32>
      %get3A_75 = arith.index_cast %add3A_37 : i32 to index
      %get3A_76 = arith.constant 48 : index
      %get3A_77 = tpu.vector_load %arg11[%get3A_75, %get3A_76] {strides = array<i32>} : memref<80x64xf32, #tpu.memory_space<vmem>>, vector<1x16xf32>,
      %get3A_78 = vector.shape_cast %get3A_77 : vector<1x16xf32> to vector<16xf32>
      %get3A_79 = arith.index_cast %add3A_37 : i32 to index
      %get3A_80 = arith.constant 48 : index
      %get3A_81 = tpu.vector_load %arg12[%get3A_79, %get3A_80] {strides = array<i32>} : memref<80x64xf32, #tpu.memory_space<vmem>>, vector<1x16xf32>,
      %get3A_82 = vector.shape_cast %get3A_81 : vector<1x16xf32> to vector<16xf32>
      %add3A_83 = arith.addf %get3A_78, %get3A_82 : vector<16xf32>
      %mul3A_84 = arith.constant 2.000000e-01 : f32
      %mul3A_85 = vector.broadcast %mul3A_84 : f32 to vector<16xf32>
      %mul3A_86 = arith.mulf %mul3A_85, %add3A_83 : vector<16xf32>
      %max3A_87 = arith.maximumf %add3A_83, %mul3A_86 : vector<16xf32>
      %bitcast_convert_type3A = tpu.bitcast %max3A : vector<16xf32> -> vector<16xi32>
      %add3A_88 = arith.constant 32767 : i32
      %add3A_89 = vector.broadcast %add3A_88 : i32 to vector<16xi32>
      %add3A_90 = arith.addi %bitcast_convert_type3A, %add3A_89 : vector<16xi32>
      %shift_right_logical3A = arith.constant 16 : i32
      %shift_right_logical3A_91 = vector.broadcast %shift_right_logical3A : i32 to vector<16xi32>
      %shift_right_logical3A_92 = arith.shrui %bitcast_convert_type3A, %shift_right_logical3A_91 : vector<16xi32>
      %and3A = arith.constant 1 : i32
      %and3A_93 = vector.broadcast %and3A : i32 to vector<16xi32>
      %and3A_94 = arith.andi %shift_right_logical3A_92, %and3A_93 : vector<16xi32>
      %add3A_95 = arith.addi %add3A_90, %and3A_94 : vector<16xi32>
      %and3A_96 = arith.constant -65536 : i32
      %and3A_97 = vector.broadcast %and3A_96 : i32 to vector<16xi32>
      %and3A_98 = arith.andi %add3A_95, %and3A_97 : vector<16xi32>
      %bitcast_convert_type3A_99 = tpu.bitcast %and3A_98 : vector<16xi32> -> vector<16xf32>
      %get3A_100 = arith.constant 0 : index
      %get3A_101 = tpu.vector_load %arg19[%get3A_100] {strides = array<i32>} : memref<64xf32, #tpu.memory_space<vmem>>, vector<16xf32>,
      %get3A_102 = vector.shape_cast %get3A_101 : vector<16xf32> to vector<16xf32>
      %mul3A_103 = arith.mulf %bitcast_convert_type3A_99, %get3A_102 : vector<16xf32>
      %bitcast_convert_type3A_104 = tpu.bitcast %max3A_61 : vector<16xf32> -> vector<16xi32>
      %add3A_105 = arith.constant 32767 : i32
      %add3A_106 = vector.broadcast %add3A_105 : i32 to vector<16xi32>
      %add3A_107 = arith.addi %bitcast_convert_type3A_104, %add3A_106 : vector<16xi32>
      %shift_right_logical3A_108 = arith.constant 16 : i32
      %shift_right_logical3A_109 = vector.broadcast %shift_right_logical3A_108 : i32 to vector<16xi32>
      %shift_right_logical3A_110 = arith.shrui %bitcast_convert_type3A_104, %shift_right_logical3A_109 : vector<16xi32>
      %and3A_111 = arith.constant 1 : i32
      %and3A_112 = vector.broadcast %and3A_111 : i32 to vector<16xi32>
      %and3A_113 = arith.andi %shift_right_logical3A_110, %and3A_112 : vector<16xi32>
      %add3A_114 = arith.addi %add3A_107, %and3A_113 : vector<16xi32>
      %and3A_115 = arith.constant -65536 : i32
      %and3A_116 = vector.broadcast %and3A_115 : i32 to vector<16xi32>
      %and3A_117 = arith.andi %add3A_114, %and3A_116 : vector<16xi32>
      %bitcast_convert_type3A_118 = tpu.bitcast %and3A_117 : vector<16xi32> -> vector<16xf32>
      %get3A_119 = arith.constant 16 : index
      %get3A_120 = tpu.vector_load %arg19[%get3A_119] {strides = array<i32>} : memref<64xf32, #tpu.memory_space<vmem>>, vector<16xf32>,
      %get3A_121 = vector.shape_cast %get3A_120 : vector<16xf32> to vector<16xf32>
      %mul3A_122 = arith.mulf %bitcast_convert_type3A_118, %get3A_121 : vector<16xf32>
      %add3A_123 = arith.addf %mul3A_103, %mul3A_122 : vector<16xf32>
      %bitcast_convert_type3A_124 = tpu.bitcast %max3A_74 : vector<16xf32> -> vector<16xi32>
      %add3A_125 = arith.constant 32767 : i32
      %add3A_126 = vector.broadcast %add3A_125 : i32 to vector<16xi32>
      %add3A_127 = arith.addi %bitcast_convert_type3A_124, %add3A_126 : vector<16xi32>
      %shift_right_logical3A_128 = arith.constant 16 : i32
      %shift_right_logical3A_129 = vector.broadcast %shift_right_logical3A_128 : i32 to vector<16xi32>
      %shift_right_logical3A_130 = arith.shrui %bitcast_convert_type3A_124, %shift_right_logical3A_129 : vector<16xi32>
      %and3A_131 = arith.constant 1 : i32
      %and3A_132 = vector.broadcast %and3A_131 : i32 to vector<16xi32>
      %and3A_133 = arith.andi %shift_right_logical3A_130, %and3A_132 : vector<16xi32>
      %add3A_134 = arith.addi %add3A_127, %and3A_133 : vector<16xi32>
      %and3A_135 = arith.constant -65536 : i32
      %and3A_136 = vector.broadcast %and3A_135 : i32 to vector<16xi32>
      %and3A_137 = arith.andi %add3A_134, %and3A_136 : vector<16xi32>
      %bitcast_convert_type3A_138 = tpu.bitcast %and3A_137 : vector<16xi32> -> vector<16xf32>
      %get3A_139 = arith.constant 32 : index
      %get3A_140 = tpu.vector_load %arg19[%get3A_139] {strides = array<i32>} : memref<64xf32, #tpu.memory_space<vmem>>, vector<16xf32>,
      %get3A_141 = vector.shape_cast %get3A_140 : vector<16xf32> to vector<16xf32>
      %mul3A_142 = arith.mulf %bitcast_convert_type3A_138, %get3A_141 : vector<16xf32>
      %add3A_143 = arith.addf %add3A_123, %mul3A_142 : vector<16xf32>
      %bitcast_convert_type3A_144 = tpu.bitcast %max3A_87 : vector<16xf32> -> vector<16xi32>
      %add3A_145 = arith.constant 32767 : i32
      %add3A_146 = vector.broadcast %add3A_145 : i32 to vector<16xi32>
      %add3A_147 = arith.addi %bitcast_convert_type3A_144, %add3A_146 : vector<16xi32>
      %shift_right_logical3A_148 = arith.constant 16 : i32
      %shift_right_logical3A_149 = vector.broadcast %shift_right_logical3A_148 : i32 to vector<16xi32>
      %shift_right_logical3A_150 = arith.shrui %bitcast_convert_type3A_144, %shift_right_logical3A_149 : vector<16xi32>
      %and3A_151 = arith.constant 1 : i32
      %and3A_152 = vector.broadcast %and3A_151 : i32 to vector<16xi32>
      %and3A_153 = arith.andi %shift_right_logical3A_150, %and3A_152 : vector<16xi32>
      %add3A_154 = arith.addi %add3A_147, %and3A_153 : vector<16xi32>
      %and3A_155 = arith.constant -65536 : i32
      %and3A_156 = vector.broadcast %and3A_155 : i32 to vector<16xi32>
      %and3A_157 = arith.andi %add3A_154, %and3A_156 : vector<16xi32>
      %bitcast_convert_type3A_158 = tpu.bitcast %and3A_157 : vector<16xi32> -> vector<16xf32>
      %get3A_159 = arith.constant 48 : index
      %get3A_160 = tpu.vector_load %arg19[%get3A_159] {strides = array<i32>} : memref<64xf32, #tpu.memory_space<vmem>>, vector<16xf32>,
      %get3A_161 = vector.shape_cast %get3A_160 : vector<16xf32> to vector<16xf32>
      %mul3A_162 = arith.mulf %bitcast_convert_type3A_158, %get3A_161 : vector<16xf32>
      %add3A_163 = arith.addf %add3A_143, %mul3A_162 : vector<16xf32>
      %iota3A = tpu.iota {dimensions = array<i32: 0>} : vector<16xi32>
      %xor3A = arith.constant 1 : i32
      %xor3A_164 = vector.broadcast %xor3A : i32 to vector<16xi32>
      %xor3A_165 = arith.xori %iota3A, %xor3A_164 : vector<16xi32>
      %broadcast_in_dim3A = vector.shape_cast %xor3A_165 : vector<16xi32> to vector<16x1xi32>
      %gather3A = vector.shape_cast %broadcast_in_dim3A : vector<16x1xi32> to vector<16xi32>
      %gather3A_166 = tpu.dynamic_gather %add3A_163[%gather3A] in [0] : vector<16xf32>, vector<16xi32> -> vector<16xf32>
      %add3A_167 = arith.addf %add3A_163, %gather3A_166 : vector<16xf32>
      %xor3A_168 = arith.constant 2 : i32
      %xor3A_169 = vector.broadcast %xor3A_168 : i32 to vector<16xi32>
      %xor3A_170 = arith.xori %iota3A, %xor3A_169 : vector<16xi32>
      %broadcast_in_dim3A_171 = vector.shape_cast %xor3A_170 : vector<16xi32> to vector<16x1xi32>
      %gather3A_172 = vector.shape_cast %broadcast_in_dim3A_171 : vector<16x1xi32> to vector<16xi32>
      %gather3A_173 = tpu.dynamic_gather %add3A_167[%gather3A_172] in [0] : vector<16xf32>, vector<16xi32> -> vector<16xf32>
      %add3A_174 = arith.addf %add3A_167, %gather3A_173 : vector<16xf32>
      %xor3A_175 = arith.constant 4 : i32
      %xor3A_176 = vector.broadcast %xor3A_175 : i32 to vector<16xi32>
      %xor3A_177 = arith.xori %iota3A, %xor3A_176 : vector<16xi32>
      %broadcast_in_dim3A_178 = vector.shape_cast %xor3A_177 : vector<16xi32> to vector<16x1xi32>
      %gather3A_179 = vector.shape_cast %broadcast_in_dim3A_178 : vector<16x1xi32> to vector<16xi32>
      %gather3A_180 = tpu.dynamic_gather %add3A_174[%gather3A_179] in [0] : vector<16xf32>, vector<16xi32> -> vector<16xf32>
      %add3A_181 = arith.addf %add3A_174, %gather3A_180 : vector<16xf32>
      %xor3A_182 = arith.constant 8 : i32
      %xor3A_183 = vector.broadcast %xor3A_182 : i32 to vector<16xi32>
      %xor3A_184 = arith.xori %iota3A, %xor3A_183 : vector<16xi32>
      %broadcast_in_dim3A_185 = vector.shape_cast %xor3A_184 : vector<16xi32> to vector<16x1xi32>
      %gather3A_186 = vector.shape_cast %broadcast_in_dim3A_185 : vector<16x1xi32> to vector<16xi32>
      %gather3A_187 = tpu.dynamic_gather %add3A_181[%gather3A_186] in [0] : vector<16xf32>, vector<16xi32> -> vector<16xf32>
      %add3A_188 = arith.addf %add3A_181, %gather3A_187 : vector<16xf32>
      %exp3A = math.exp %add3A_188 : vector<16xf32>
      %mul3A_189 = arith.mulf %exp3A, %get3A_40 : vector<16xf32>
      %swap3A = arith.index_cast %add3A_37 : i32 to index
      %swap3A_190 = arith.constant 0 : index
      %swap3A_191 = tpu.vector_load %arg13[%swap3A, %swap3A_190] {strides = array<i32>} : memref<80x80xf32, #tpu.memory_space<vmem>>, vector<1x16xf32>,
      %swap3A_192 = vector.shape_cast %swap3A_191 : vector<1x16xf32> to vector<16xf32>
      %swap3A_193 = vector.shape_cast %mul3A_189 : vector<16xf32> to vector<1x16xf32>
      tpu.vector_store %arg13[%swap3A, %swap3A_190], %swap3A_193 {strides = array<i32>} : memref<80x80xf32, #tpu.memory_space<vmem>>, vector<1x16xf32>,
      %mul3A_194 = arith.mulf %exp3A, %get3A_52 : vector<16xf32>
      %swap3A_195 = arith.index_cast %add3A_37 : i32 to index
      %swap3A_196 = arith.constant 16 : index
      %swap3A_197 = tpu.vector_load %arg13[%swap3A_195, %swap3A_196] {strides = array<i32>} : memref<80x80xf32, #tpu.memory_space<vmem>>, vector<1x16xf32>,
      %swap3A_198 = vector.shape_cast %swap3A_197 : vector<1x16xf32> to vector<16xf32>
      %swap3A_199 = vector.shape_cast %mul3A_194 : vector<16xf32> to vector<1x16xf32>
      tpu.vector_store %arg13[%swap3A_195, %swap3A_196], %swap3A_199 {strides = array<i32>} : memref<80x80xf32, #tpu.memory_space<vmem>>, vector<1x16xf32>,
      %mul3A_200 = arith.mulf %exp3A, %get3A_65 : vector<16xf32>
      %swap3A_201 = arith.index_cast %add3A_37 : i32 to index
      %swap3A_202 = arith.constant 32 : index
      %swap3A_203 = tpu.vector_load %arg13[%swap3A_201, %swap3A_202] {strides = array<i32>} : memref<80x80xf32, #tpu.memory_space<vmem>>, vector<1x16xf32>,
      %swap3A_204 = vector.shape_cast %swap3A_203 : vector<1x16xf32> to vector<16xf32>
      %swap3A_205 = vector.shape_cast %mul3A_200 : vector<16xf32> to vector<1x16xf32>
      tpu.vector_store %arg13[%swap3A_201, %swap3A_202], %swap3A_205 {strides = array<i32>} : memref<80x80xf32, #tpu.memory_space<vmem>>, vector<1x16xf32>,
      %mul3A_206 = arith.mulf %exp3A, %get3A_78 : vector<16xf32>
      %swap3A_207 = arith.index_cast %add3A_37 : i32 to index
      %swap3A_208 = arith.constant 48 : index
      %swap3A_209 = tpu.vector_load %arg13[%swap3A_207, %swap3A_208] {strides = array<i32>} : memref<80x80xf32, #tpu.memory_space<vmem>>, vector<1x16xf32>,
      %swap3A_210 = vector.shape_cast %swap3A_209 : vector<1x16xf32> to vector<16xf32>
      %swap3A_211 = vector.shape_cast %mul3A_206 : vector<16xf32> to vector<1x16xf32>
      tpu.vector_store %arg13[%swap3A_207, %swap3A_208], %swap3A_211 {strides = array<i32>} : memref<80x80xf32, #tpu.memory_space<vmem>>, vector<1x16xf32>,
      %swap3A_212 = arith.index_cast %add3A_37 : i32 to index
      %swap3A_213 = arith.constant 64 : index
      %swap3A_214 = tpu.vector_load %arg13[%swap3A_212, %swap3A_213] {strides = array<i32>} : memref<80x80xf32, #tpu.memory_space<vmem>>, vector<1x16xf32>,
      %swap3A_215 = vector.shape_cast %swap3A_214 : vector<1x16xf32> to vector<16xf32>
      %swap3A_216 = vector.shape_cast %exp3A : vector<16xf32> to vector<1x16xf32>
      tpu.vector_store %arg13[%swap3A_212, %swap3A_213], %swap3A_216 {strides = array<i32>} : memref<80x80xf32, #tpu.memory_space<vmem>>, vector<1x16xf32>,
    }
    %scan3A_27 = arith.constant 80 : i32
    "tpu.region"() ({
      %run_scoped3A = tpu.sem_alloc : memref<!tpu.dma_semaphore, #tpu.memory_space<semaphore_mem>>
      %dma_start3A_33 = arith.constant 0 : i32
      %dma_start3A_34 = arith.constant 0 : i32
      %dma_start3A_35 = tpu.memref_slice %arg20[%dma_start3A_33, %dma_start3A_34] : memref<10240x80xf32, #tpu.memory_space<vmem_shared>> -> memref<10240x80xf32, #tpu.memory_space<vmem_shared>>
      tpu.enqueue_indirect_dma source(%arg13 : memref<80x80xf32, #tpu.memory_space<vmem>>) target(%dma_start3A_35 : memref<10240x80xf32, #tpu.memory_space<vmem_shared>>) offsets(%arg10 : memref<80xi32, #tpu.memory_space<vmem>>) semaphore(%run_scoped3A : memref<!tpu.dma_semaphore, #tpu.memory_space<semaphore_mem>>) {add = true}
      %dma_wait3A_36 = arith.constant 0 : i32
      %dma_wait3A_37 = arith.constant 0 : i32
      %dma_wait3A_38 = tpu.memref_slice %arg20[%dma_wait3A_36, %dma_wait3A_37] : memref<10240x80xf32, #tpu.memory_space<vmem_shared>> -> memref<10240x80xf32, #tpu.memory_space<vmem_shared>>
      tpu.wait_indirect_dma semaphore(%run_scoped3A : memref<!tpu.dma_semaphore, #tpu.memory_space<semaphore_mem>>) src(%arg13 : memref<80x80xf32, #tpu.memory_space<vmem>>) dst(%dma_wait3A_38 : memref<10240x80xf32, #tpu.memory_space<vmem_shared>>)
      tpu.yield
    }) : () -> ()
    %barrier3A_28 = arith.constant 0 : index
    tpu.barrier barrier_id(%barrier3A_28)
    %mul3A_29 = arith.constant 640 : i32
    %mul3A_30 = arith.muli %arg1, %mul3A_29 : i32
    %mul3A_31 = arith.constant 640 : i32
    %mul3A_32 = arith.muli %arg1, %mul3A_31 : i32
    "tpu.region"() ({
      %run_scoped3A = tpu.sem_alloc : memref<!tpu.dma_semaphore, #tpu.memory_space<semaphore_mem>>
      %dma_start3A_33 = arith.constant 0 : i32
      %dma_start3A_34 = tpu.memref_slice %arg8[%arg0, %mul3A_32, %dma_start3A_33] : memref<2x10240x80xf32, #tpu.memory_space<hbm>> -> memref<1x640x80xf32, #tpu.memory_space<hbm>>
      %dma_start3A_35 = tpu.memref_squeeze %dma_start3A_34 : memref<1x640x80xf32, #tpu.memory_space<hbm>> -> memref<640x80xf32, #tpu.memory_space<hbm>>
      %dma_start3A_36 = arith.constant 0 : i32
      %dma_start3A_37 = tpu.memref_slice %arg20[%mul3A_30, %dma_start3A_36] : memref<10240x80xf32, #tpu.memory_space<vmem_shared>> -> memref<640x80xf32, #tpu.memory_space<vmem_shared>>
      tpu.enqueue_dma source(%dma_start3A_37 : memref<640x80xf32, #tpu.memory_space<vmem_shared>>) target(%dma_start3A_35 : memref<640x80xf32, #tpu.memory_space<hbm>>) target_semaphore(%run_scoped3A : memref<!tpu.dma_semaphore, #tpu.memory_space<semaphore_mem>>)
      %dma_wait3A_38 = arith.constant 0 : i32
      %dma_wait3A_39 = tpu.memref_slice %arg8[%arg0, %mul3A_32, %dma_wait3A_38] : memref<2x10240x80xf32, #tpu.memory_space<hbm>> -> memref<1x640x80xf32, #tpu.memory_space<hbm>>
      %dma_wait3A_40 = tpu.memref_squeeze %dma_wait3A_39 : memref<1x640x80xf32, #tpu.memory_space<hbm>> -> memref<640x80xf32, #tpu.memory_space<hbm>>
      %dma_wait3A_41 = arith.constant 0 : i32
      %dma_wait3A_42 = tpu.memref_slice %arg20[%mul3A_30, %dma_wait3A_41] : memref<10240x80xf32, #tpu.memory_space<vmem_shared>> -> memref<640x80xf32, #tpu.memory_space<vmem_shared>>
      tpu.wait_dma2 semaphore(%run_scoped3A : memref<!tpu.dma_semaphore, #tpu.memory_space<semaphore_mem>>) src(%dma_wait3A_42 : memref<640x80xf32, #tpu.memory_space<vmem_shared>>) dst(%dma_wait3A_40 : memref<640x80xf32, #tpu.memory_space<hbm>>)
      tpu.yield
    }) : () -> ()
    return
  }
}

module attributes {stable_mosaic.version = 14 : i64} {
  func.func @_proj_body(%arg0: memref<10000x128xf32, #tpu.memory_space<vmem>>, %arg1: memref<128x64xf32, #tpu.memory_space<vmem>>, %arg2: memref<128x64xf32, #tpu.memory_space<vmem>>, %arg3: memref<10000x64xf32, #tpu.memory_space<vmem>>, %arg4: memref<10000x64xf32, #tpu.memory_space<vmem>>) attributes {dimension_semantics = [], scalar_prefetch = 0 : i64, scratch_operands = 0 : i64, tpu.core_type = #tpu.core_type<tc>} {
    %get3A = arith.constant 0 : index
    %get3A_0 = arith.constant 0 : index
    %get3A_1 = vector.load %arg0[%get3A, %get3A_0] : memref<10000x128xf32, #tpu.memory_space<vmem>>, vector<10000x128xf32>
    %get3A_2 = arith.constant 0 : index
    %get3A_3 = arith.constant 0 : index
    %get3A_4 = vector.load %arg1[%get3A_2, %get3A_3] : memref<128x64xf32, #tpu.memory_space<vmem>>, vector<128x64xf32>
    %dot_general3A = arith.constant dense<0.000000e+00> : vector<10000x64xf32>
    %dot_general3A_5 = tpu.matmul %get3A_1, %get3A_4, %dot_general3A {dimension_numbers = #tpu.dot_dimension_numbers<[1], [0], [0], [1], [0, 0, 1, 1], [], []>, transpose_lhs_hint = false} : vector<10000x128xf32>, vector<128x64xf32>, vector<10000x64xf32> -> vector<10000x64xf32>
    %swap3A = arith.constant 0 : index
    %swap3A_6 = arith.constant 0 : index
    %swap3A_7 = vector.load %arg3[%swap3A, %swap3A_6] : memref<10000x64xf32, #tpu.memory_space<vmem>>, vector<10000x64xf32>
    tpu.vector_store %arg3[%swap3A, %swap3A_6], %dot_general3A_5 {strides = array<i32>} : memref<10000x64xf32, #tpu.memory_space<vmem>>, vector<10000x64xf32>,
    %get3A_8 = arith.constant 0 : index
    %get3A_9 = arith.constant 0 : index
    %get3A_10 = vector.load %arg2[%get3A_8, %get3A_9] : memref<128x64xf32, #tpu.memory_space<vmem>>, vector<128x64xf32>
    %dot_general3A_11 = arith.constant dense<0.000000e+00> : vector<10000x64xf32>
    %dot_general3A_12 = tpu.matmul %get3A_1, %get3A_10, %dot_general3A_11 {dimension_numbers = #tpu.dot_dimension_numbers<[1], [0], [0], [1], [0, 0, 1, 1], [], []>, transpose_lhs_hint = false} : vector<10000x128xf32>, vector<128x64xf32>, vector<10000x64xf32> -> vector<10000x64xf32>
    %swap3A_13 = arith.constant 0 : index
    %swap3A_14 = arith.constant 0 : index
    %swap3A_15 = vector.load %arg4[%swap3A_13, %swap3A_14] : memref<10000x64xf32, #tpu.memory_space<vmem>>, vector<10000x64xf32>
    tpu.vector_store %arg4[%swap3A_13, %swap3A_14], %dot_general3A_12 {strides = array<i32>} : memref<10000x64xf32, #tpu.memory_space<vmem>>, vector<10000x64xf32>,
    return
  }
}

module attributes {stable_mosaic.version = 14 : i64} {
  func.func @_head_body(%arg0: memref<2x10240x80xf32, #tpu.memory_space<vmem>>, %arg1: memref<1x64xf32, #tpu.memory_space<vmem>>, %arg2: memref<1x10240xi32, #tpu.memory_space<vmem>>, %arg3: memref<64x64xf32, #tpu.memory_space<vmem>>, %arg4: memref<1x64xf32, #tpu.memory_space<vmem>>, %arg5: memref<64x32xf32, #tpu.memory_space<vmem>>, %arg6: memref<1x32xf32, #tpu.memory_space<vmem>>, %arg7: memref<32x128xf32, #tpu.memory_space<vmem>>, %arg8: memref<1x128xf32, #tpu.memory_space<vmem>>, %arg9: memref<128x128xf32, #tpu.memory_space<vmem>>) attributes {dimension_semantics = [], scalar_prefetch = 0 : i64, scratch_operands = 0 : i64, tpu.core_type = #tpu.core_type<tc>} {
    %get3A = arith.constant 0 : index
    %get3A_0 = arith.constant 0 : index
    %get3A_1 = arith.constant 0 : index
    %get3A_2 = vector.load %arg0[%get3A, %get3A_0, %get3A_1] : memref<2x10240x80xf32, #tpu.memory_space<vmem>>, vector<1x10240x80xf32>
    %get3A_3 = vector.shape_cast %get3A_2 : vector<1x10240x80xf32> to vector<10240x80xf32>
    %get3A_4 = arith.constant 1 : index
    %get3A_5 = arith.constant 0 : index
    %get3A_6 = arith.constant 0 : index
    %get3A_7 = vector.load %arg0[%get3A_4, %get3A_5, %get3A_6] : memref<2x10240x80xf32, #tpu.memory_space<vmem>>, vector<1x10240x80xf32>
    %get3A_8 = vector.shape_cast %get3A_7 : vector<1x10240x80xf32> to vector<10240x80xf32>
    %add3A = arith.addf %get3A_3, %get3A_8 : vector<10240x80xf32>
    %slice3A = vector.extract_strided_slice %add3A {offsets = [0, 0], sizes = [10240, 64], strides = [1, 1]} : vector<10240x80xf32> to vector<10240x64xf32>
    %slice3A_9 = vector.extract_strided_slice %add3A {offsets = [0, 64], sizes = [10240, 1], strides = [1, 1]} : vector<10240x80xf32> to vector<10240x1xf32>
    %add3A_10 = arith.constant 1.000000e-16 : f32
    %add3A_11 = vector.broadcast %add3A_10 : f32 to vector<10240x1xf32>
    %add3A_12 = arith.addf %slice3A_9, %add3A_11 : vector<10240x1xf32>
    %div3A = vector.broadcast %add3A_12 : vector<10240x1xf32> to vector<10240x64xf32>
    %div3A_13 = arith.divf %slice3A, %div3A : vector<10240x64xf32>
    %get3A_14 = arith.constant 0 : index
    %get3A_15 = arith.constant 0 : index
    %get3A_16 = vector.load %arg1[%get3A_14, %get3A_15] : memref<1x64xf32, #tpu.memory_space<vmem>>, vector<1x64xf32>
    %add3A_17 = vector.broadcast %get3A_16 : vector<1x64xf32> to vector<10240x64xf32>
    %add3A_18 = arith.addf %div3A_13, %add3A_17 : vector<10240x64xf32>
    %max3A = arith.constant 0.000000e+00 : f32
    %max3A_19 = vector.broadcast %max3A : f32 to vector<10240x64xf32>
    %max3A_20 = arith.maximumf %add3A_18, %max3A_19 : vector<10240x64xf32>
    %iota3A = tpu.iota {dimensions = array<i32: 0>} : vector<128x10240xi32>
    %get3A_21 = arith.constant 0 : index
    %get3A_22 = arith.constant 0 : index
    %get3A_23 = vector.load %arg2[%get3A_21, %get3A_22] : memref<1x10240xi32, #tpu.memory_space<vmem>>, vector<1x10240xi32>
    %eq3A = vector.broadcast %get3A_23 : vector<1x10240xi32> to vector<128x10240xi32>
    %eq3A_24 = arith.cmpi eq, %eq3A, %iota3A : vector<128x10240xi32>
    %convert_element_type3A = arith.extui %eq3A_24 : vector<128x10240xi1> to vector<128x10240xi32>
    %convert_element_type3A_25 = arith.sitofp %convert_element_type3A : vector<128x10240xi32> to vector<128x10240xf32>
    %dot_general3A = arith.constant dense<0.000000e+00> : vector<128x64xf32>
    %dot_general3A_26 = tpu.matmul %convert_element_type3A_25, %max3A_20, %dot_general3A {dimension_numbers = #tpu.dot_dimension_numbers<[1], [0], [0], [1], [0, 0, 1, 1], [], []>, precision = #tpu.contract_precision<fp32>, transpose_lhs_hint = false} : vector<128x10240xf32>, vector<10240x64xf32>, vector<128x64xf32> -> vector<128x64xf32>
    %reduce_sum3A = arith.constant dense<0.000000e+00> : vector<128xf32>
    %reduce_sum3A_27 = vector.multi_reduction <add>, %convert_element_type3A_25, %reduce_sum3A [1] : vector<128x10240xf32> to vector<128xf32>
    %broadcast_in_dim3A = vector.shape_cast %reduce_sum3A_27 : vector<128xf32> to vector<128x1xf32>
    %max3A_28 = arith.constant 1.000000e+00 : f32
    %max3A_29 = vector.broadcast %max3A_28 : f32 to vector<128x1xf32>
    %max3A_30 = arith.maximumf %broadcast_in_dim3A, %max3A_29 : vector<128x1xf32>
    %div3A_31 = vector.broadcast %max3A_30 : vector<128x1xf32> to vector<128x64xf32>
    %div3A_32 = arith.divf %dot_general3A_26, %div3A_31 : vector<128x64xf32>
    %get3A_33 = arith.constant 0 : index
    %get3A_34 = arith.constant 0 : index
    %get3A_35 = vector.load %arg3[%get3A_33, %get3A_34] : memref<64x64xf32, #tpu.memory_space<vmem>>, vector<64x64xf32>
    %dot_general3A_36 = arith.constant dense<0.000000e+00> : vector<128x64xf32>
    %dot_general3A_37 = tpu.matmul %div3A_32, %get3A_35, %dot_general3A_36 {dimension_numbers = #tpu.dot_dimension_numbers<[1], [0], [0], [1], [0, 0, 1, 1], [], []>, transpose_lhs_hint = false} : vector<128x64xf32>, vector<64x64xf32>, vector<128x64xf32> -> vector<128x64xf32>
    %get3A_38 = arith.constant 0 : index
    %get3A_39 = arith.constant 0 : index
    %get3A_40 = vector.load %arg4[%get3A_38, %get3A_39] : memref<1x64xf32, #tpu.memory_space<vmem>>, vector<1x64xf32>
    %add3A_41 = vector.broadcast %get3A_40 : vector<1x64xf32> to vector<128x64xf32>
    %add3A_42 = arith.addf %dot_general3A_37, %add3A_41 : vector<128x64xf32>
    %ge3A = arith.constant 0.000000e+00 : f32
    %ge3A_43 = vector.broadcast %ge3A : f32 to vector<128x64xf32>
    %ge3A_44 = arith.cmpf oge, %add3A_42, %ge3A_43 : vector<128x64xf32>
    %mul3A = arith.constant 0.00999999977 : f32
    %mul3A_45 = vector.broadcast %mul3A : f32 to vector<128x64xf32>
    %mul3A_46 = arith.mulf %mul3A_45, %add3A_42 : vector<128x64xf32>
    %select_n3A = arith.select %ge3A_44, %add3A_42, %mul3A_46 : vector<128x64xi1>, vector<128x64xf32>
    %get3A_47 = arith.constant 0 : index
    %get3A_48 = arith.constant 0 : index
    %get3A_49 = vector.load %arg5[%get3A_47, %get3A_48] : memref<64x32xf32, #tpu.memory_space<vmem>>, vector<64x32xf32>
    %dot_general3A_50 = arith.constant dense<0.000000e+00> : vector<128x32xf32>
    %dot_general3A_51 = tpu.matmul %select_n3A, %get3A_49, %dot_general3A_50 {dimension_numbers = #tpu.dot_dimension_numbers<[1], [0], [0], [1], [0, 0, 1, 1], [], []>, transpose_lhs_hint = false} : vector<128x64xf32>, vector<64x32xf32>, vector<128x32xf32> -> vector<128x32xf32>
    %get3A_52 = arith.constant 0 : index
    %get3A_53 = arith.constant 0 : index
    %get3A_54 = vector.load %arg6[%get3A_52, %get3A_53] : memref<1x32xf32, #tpu.memory_space<vmem>>, vector<1x32xf32>
    %add3A_55 = vector.broadcast %get3A_54 : vector<1x32xf32> to vector<128x32xf32>
    %add3A_56 = arith.addf %dot_general3A_51, %add3A_55 : vector<128x32xf32>
    %get3A_57 = arith.constant 0 : index
    %get3A_58 = arith.constant 0 : index
    %get3A_59 = vector.load %arg7[%get3A_57, %get3A_58] : memref<32x128xf32, #tpu.memory_space<vmem>>, vector<32x128xf32>
    %dot_general3A_60 = arith.constant dense<0.000000e+00> : vector<128x128xf32>
    %dot_general3A_61 = tpu.matmul %add3A_56, %get3A_59, %dot_general3A_60 {dimension_numbers = #tpu.dot_dimension_numbers<[1], [0], [0], [1], [0, 0, 1, 1], [], []>, transpose_lhs_hint = false} : vector<128x32xf32>, vector<32x128xf32>, vector<128x128xf32> -> vector<128x128xf32>
    %get3A_62 = arith.constant 0 : index
    %get3A_63 = arith.constant 0 : index
    %get3A_64 = vector.load %arg8[%get3A_62, %get3A_63] : memref<1x128xf32, #tpu.memory_space<vmem>>, vector<1x128xf32>
    %add3A_65 = vector.broadcast %get3A_64 : vector<1x128xf32> to vector<128x128xf32>
    %add3A_66 = arith.addf %dot_general3A_61, %add3A_65 : vector<128x128xf32>
    %swap3A = arith.constant 0 : index
    %swap3A_67 = arith.constant 0 : index
    %swap3A_68 = vector.load %arg9[%swap3A, %swap3A_67] : memref<128x128xf32, #tpu.memory_space<vmem>>, vector<128x128xf32>
    tpu.vector_store %arg9[%swap3A, %swap3A_67], %add3A_66 {strides = array<i32>} : memref<128x128xf32, #tpu.memory_space<vmem>>, vector<128x128xf32>,
    return
  }
}

</mosaic_0001>

<sc_bundles>
// kernel: kernel.5.cloned.1.call-start
scs
__scs_entry_jumppad:
0x0: {  	(pc) =	sbr.rel $0x88, $3  }
0x1: {  	(tag) =	ssettag $0x0;
	lr =	simm.s32 $0x1  }
0x2: {  	[smem:$0x3F94] =	sst lr;
	_ =	strace $0xD0000000  }
0x3: {  	_ = 	snop  }
0x4: {  	_ = 	snop  }
0x5: {  	_ = 	snop  }
0x6: {  	_ = 	snop  }
0x7: {  	_ = 	snop  }
__scs_overlays_trampoline_lowered:
0x8: {  	[smem:$0x3FA3] =	sst s0  }
0x9: {  	[smem:$0x3FA4] =	sst s1  }
0xa: {  	[smem:$0x3FA5] =	sst s2  }
0xb: {  	[smem:$0x3FA6] =	sst s3  }
0xc: {  	[smem:$0x3FA7] =	sst s4  }
0xd: {  	[smem:$0x3FA8] =	sst s5  }
0xe: {  	[smem:$0x3FA9] =	sst s6  }
0xf: {  	[smem:$0x3FAA] =	sst s7  }
0x10: {  	[smem:$0x3FAB] =	sst s8  }
0x11: {  	[smem:$0x3FAC] =	sst s9;
	s0 =	simm.s32 @!p0 $0x0  }
0x12: {  	s1 =	sld [smem:$0x3F92];
	s0 =	simm.s32 @p0 $0x1  }
0x13: {  	[smem:$0x3FAD] =	sst s0;
	s0 =	simm.s32 @!p1 $0x0  }
0x14: {  	s2 =	sld [smem:$0x3F91];
	s0 =	simm.s32 @p1 $0x1  }
0x15: {  	[smem:$0x3FAE] =	sst s0;
	s0 =	simm.s32 @!p2 $0x0  }
0x16: {  	s3 =	sld [smem:$0x3FDB];
	s0 =	simm.s32 @p2 $0x1  }
0x17: {  	s4 =	simm.s32 $0x1BF5;
	[smem:$0x3FB0] =	sst s0  }
0x18: {  	s0 =	sld [smem:$0x3F93];
	_ =	swait.ge [sflag:s4], $0x0  }
0x19: {  	s7 =	sld [smem:$0x3F94]  }
0x1a: {  	s8 =	sadd.s32 $0xFFFFE003, lr  }
0x1b: {  	s9 =	sadd.s32 $0xFFFFFEF7, lr;
	s5 =	simm.s32 $0xFFFFFFFF;
	p2 =	slt.u32 s8, $0xFFFFF086  }
0x1c: {  	p1 =	slt.u32 s9, $0xF7A;
	s5 =	simm.s32 @!p2 $0x0  }
0x1d: {  	s5 =	simm.s32 @p1 $0x1;
	p0 =	seq.s32 s7, s2  }
0x1e: {  	s7 =	smul.u32 @!p0 $0xF7A, s2;
	p2 =	seq.s32 @!p0 s5, $0x0  }
0x1f: {  	s9 =	smul.u32 $0xF7A, s1;
	s8 =	simm.s32 @!p0 $0x1BF5;
	p2 =	por !p2, p0  }
0x20: {  	[sflag:s8] =	ssyncset.s32 @!p0 $0xFFFFF086;
	s6 =	sadd.s32 @!p0 s3, s7;
	s7 =	simm.s32 @!p0 $0x108  }
0x21: {  	s3 =	sadd.s32 s3, s9;
	s6 =	sadd.s32 @!p0 $0x88, s6;
	s7 =	simm.s32 @p2 $0x1082  }
0x22: {  	[simem:s7], [sflag:s8] =	dma.local @!p0 [hbm:s6], $0xF7A  }
0x23: {  	s9 =	sor.u32 $0xD0000000, s2;
	s6 =	simm.s32 $0x108;
	_ =	swait.ge @!p0 [sflag:s8], $0x0  }
0x24: {  	s3 =	sadd.s32 $0x88, s3;
	s6 =	simm.s32 @!p1 $0x1082;
	[sflag:s4] =	ssyncset.s32 $0xFFFFF086  }
0x25: {  	[simem:s6], [sflag:s4] =	dma.local [hbm:s3], $0xF7A  }
0x26: {  	[smem:$0x3F94] =	sst s1;
	(tag) =	ssettag s2;
	_ =	strace s9  }
0x27: {  	s1 =	sld [smem:$0x3FA4]  }
0x28: {  	s2 =	sld [smem:$0x3FA5]  }
0x29: {  	s4 =	sld [smem:$0x3FA7]  }
0x2a: {  	p0 =	seq.s32 s5, $0x0;
	s5 =	sld [smem:$0x3FA8]  }
0x2b: {  	s6 =	sld [smem:$0x3FA9]  }
0x2c: {  	s7 =	sld [smem:$0x3FAA]  }
0x2d: {  	s3 =	simm.s32 $0x108;
	s8 =	sld [smem:$0x3FAB]  }
0x2e: {  	s3 =	simm.s32 @!p0 $0x1082;
	s9 =	sld [smem:$0x3FAC]  }
0x2f: {  	lr =	sadd.s32 s0, s3;
	s0 =	sld [smem:$0x3FA3]  }
0x30: {  	s3 =	sld [smem:$0x3FA6]  }
0x31: {  	[smem:$0x3FAF] =	sst s10  }
0x32: {  	s10 =	sld [smem:$0x3FAD];
	_ =	sdelay $0x3  }
0x33: {  	p0 =	seq.s32 s10, $0x1;
	s10 =	sld [smem:$0x3FAF];
	_ =	sdelay $0x3  }
0x34: {  	[smem:$0x3FAF] =	sst s10  }
0x35: {  	s10 =	sld [smem:$0x3FAE];
	_ =	sdelay $0x3  }
0x36: {  	p1 =	seq.s32 s10, $0x1;
	s10 =	sld [smem:$0x3FAF];
	_ =	sdelay $0x3  }
0x37: {  	[smem:$0x3FAF] =	sst s10  }
0x38: {  	s10 =	sld [smem:$0x3FB0]  }
0x39: {  	_ = 	snop;
	(pc) =	sbr.ind lr, $3  }
0x3a: {  	_ = 	snop  }
0x3b: {  	_ = 	snop  }
0x3c: {  	p2 =	seq.s32 s10, $0x1;
	s10 =	sld [smem:$0x3FAF]  }
0x3d: {  	_ =	shalt  }
0x3e: {  	_ =	shalt  }
0x3f: {  	_ =	shalt  }
0x40: {  	_ =	shalt  }
0x41: {  	_ =	shalt  }
0x42: {  	_ =	shalt  }
0x43: {  	_ =	shalt  }
0x44: {  	_ =	shalt  }
0x45: {  	_ =	shalt  }
0x46: {  	_ =	shalt  }
0x47: {  	_ =	shalt  }
0x48: {  	_ =	shalt  }
0x49: {  	_ =	shalt  }
0x4a: {  	_ =	shalt  }
0x4b: {  	_ =	shalt  }
0x4c: {  	_ =	shalt  }
0x4d: {  	_ =	shalt  }
0x4e: {  	_ =	shalt  }
0x4f: {  	_ =	shalt  }
0x50: {  	_ =	shalt  }
0x51: {  	_ =	shalt  }
0x52: {  	_ =	shalt  }
0x53: {  	_ =	shalt  }
0x54: {  	_ =	shalt  }
0x55: {  	_ =	shalt  }
0x56: {  	_ =	shalt  }
0x57: {  	_ =	shalt  }
0x58: {  	_ =	shalt  }
0x59: {  	_ =	shalt  }
0x5a: {  	_ =	shalt  }
0x5b: {  	_ =	shalt  }
0x5c: {  	_ =	shalt  }
0x5d: {  	_ =	shalt  }
0x5e: {  	_ =	shalt  }
0x5f: {  	_ =	shalt  }
0x60: {  	_ =	shalt  }
0x61: {  	_ =	shalt  }
0x62: {  	_ =	shalt  }
0x63: {  	_ =	shalt  }
0x64: {  	_ =	shalt  }
0x65: {  	_ =	shalt  }
0x66: {  	_ =	shalt  }
0x67: {  	_ =	shalt  }
0x68: {  	_ =	shalt  }
0x69: {  	_ =	shalt  }
0x6a: {  	_ =	shalt  }
0x6b: {  	_ =	shalt  }
0x6c: {  	_ =	shalt  }
0x6d: {  	_ =	shalt  }
0x6e: {  	_ =	shalt  }
0x6f: {  	_ =	shalt  }
0x70: {  	_ =	shalt  }
0x71: {  	_ =	shalt  }
0x72: {  	_ =	shalt  }
0x73: {  	_ =	shalt  }
0x74: {  	_ =	shalt  }
0x75: {  	_ =	shalt  }
0x76: {  	_ =	shalt  }
0x77: {  	_ =	shalt  }
0x78: {  	_ =	shalt  }
0x79: {  	_ =	shalt  }
0x7a: {  	_ =	shalt  }
0x7b: {  	_ =	shalt  }
0x7c: {  	_ =	shalt  }
0x7d: {  	_ =	shalt  }
0x7e: {  	_ =	shalt  }
0x7f: {  	_ =	shalt  }
0x80: {  	_ =	shalt  }
0x81: {  	_ =	shalt  }
0x82: {  	_ =	shalt  }
0x83: {  	_ =	shalt  }
0x84: {  	_ =	shalt  }
0x85: {  	_ =	shalt  }
0x86: {  	_ =	shalt  }
0x87: {  	_ =	shalt  }
.Lfunc_end0:
.L_simem_size_0:
called_computation_lowered:
.L_overlay_start_0:
0x88: {  	s2 =	sld [smem:$0x3FD9]  }
0x89: {  	s3 =	sld [smem:$0x3FFE];
	_ =	sdelay $0x1  }
0x8a: {  	s1 =	srdreg.scid  }
0x8b: {  	s0 =	sand.u32 $0x1, s1  }
0x8c: {  	s17 =	sshll.u32 s0, $0xA;
	s2 =	sadd.s32 s3, s2  }
0x8d: {  	s2 =	sadd.s32 s2, s17  }
0x8e: {  	[smem:$0x3FBB] =	sst s2  }
0x8f: {  	_ = 	snop  }
0x90: {  	s2 =	sld [smem:$0x3FD0];
	(tm) =	ssettm $0x1  }
0x91: {  	s18 =	sld [smem:$0x3FFB];
	_ =	sdelay $0x3  }
0x92: {  	_ =	strace s18  }
0x93: {  	s3 =	sld [smem:$0x3FFC];
	_ =	sdelay $0x3  }
0x94: {  	_ =	strace s3  }
0x95: {  	s3 =	sld [smem:$0x3FFD];
	_ =	sdelay $0x3  }
0x96: {  	_ =	strace s3  }
0x97: {  	_ =	strace $0x8FFFFFFF  }
0x98: {  	s19 =	sld [smem:$0x3FDB];
	_ =	sdelay $0x1  }
0x99: {  	s4 =	simm.s32 $_scs_section_size  }
0x9a: {  	s5 =	simm.s32 $_size__tile_overlayer_lowered;
	s6 =	simm.s32 $_tile_overlayer_lowered  }
0x9b: {  	s22 =	simm.s32 $0x1BFF;
	s21 =	sshll.u32 s6, $0x1;
	s3 =	sadd.s32 s4, s19  }
0x9c: {  	s7 =	simm.s32 $0x0;
	s20 =	sshll.u32 s5, $0x1;
	s5 =	sadd.s32 s21, s3  }
0x9d: {  	[timem:s7], [sflag:s22] =	dma.local [hbm:s5], s20  }
0x9e: {  	_ =	swait.ge [sflag:s22], s20  }
0x9f: {  	s4 =	ssub.s32 $0x0, s20;
	[sflag:s22] =	ssyncset.done $0x0  }
0xa0: {  	[sflag:s22] =	ssyncadd.s32 s4;
	_ =	sdelay $0x1  }
0xa1: {  	s23 =	simm.s32 $0x1B8B  }
0xa2: {  	_ =	swait.ge [sflag:s23], $0x1  }
0xa3: {  	[sflag:s23] =	ssyncset.done $0x0  }
0xa4: {  	s25 =	simm.s32 $0x1B8E;
	s24 =	sld [smem:$0x3FFE];
	[sflag:s23] =	ssyncadd.s32 $0xFFFFFFFF  }
0xa5: {  	s26 =	simm.s32 $execute0_lowered;
	[smem:$0x3FD2] =	sst s25  }
0xa6: {  	s5 =	sshll.u32 s26, $0x1;
	_ =	strace $0x80000046;
	[dreg:$0x1] =	wrdreg $0xFFFFFFFF  }
0xa7: {  	s28 =	simm.s32 $_size_execute0_lowered;
	s3 =	sadd.s32 s3, s5;
	[dreg:$0x0] =	wrdreg $0x0  }
0xa8: {  	s5 =	sshll.u32 s28, $0x1;
	[dreg:$0x2] =	wrdreg s3  }
0xa9: {  	[dreg:$0x3] =	wrdreg s5  }
0xaa: {  	[dreg:$0x4] =	wrdreg $0xC0  }
0xab: {  	_ =	task [dreg:s7], $0x5FFFF  }
0xac: {  	[dreg:$0x1] =	wrdreg $0xFFFFFFFF  }
0xad: {  	[dreg:$0x0] =	wrdreg $0x60  }
0xae: {  	[dreg:$0x2] =	wrdreg s24  }
0xaf: {  	[dreg:$0x3] =	wrdreg s2  }
0xb0: {  	[dreg:$0x4] =	wrdreg $0x83800  }
0xb1: {  	[dreg:$0x5] =	wrdreg $0x9  }
0xb2: {  	_ =	task.clear_ibuf [dreg:s7], $0x6FFFF;
	_ =	strace $0x90000046  }
0xb3: {  	s29 =	simm.s32 $0x9;
	_ =	strace $0x80000048  }
0xb4: {  	_ =	swait.ge [sflag:s29], $0x1  }
0xb5: {  	[sflag:s29] =	ssyncadd.s32 $0xFFFFFFFF  }
0xb6: {  	_ =	strace $0x90000048  }
0xb7: {  	_ =	sfence  }
0xb8: {  	s30 =	sld [smem:$0x0];
	_ =	sdelay $0x2  }
0xb9: {  	s31 =	sshll.u32 s1, $0xD;
	s1 =	sshrl.u32 s1, $0x2  }
0xba: {  	s3 =	sand.u32 $0x4000, s31;
	s1 =	sadd.s32 s1, s30  }
0xbb: {  	s0 =	sor.u32 s3, s0;
	s1 =	sshll.u32 s1, $0x11  }
0xbc: {  	s0 =	sor.u32 s1, s0  }
0xbd: {  	s0 =	sadd.s32 $0x8F2B, s0  }
0xbe: {  	[sflag:s0] =	ssyncadd.remote.s32 $0x1  }
0xbf: {  	_ =	sfence.sel $0xFFFF  }
0xc0: {  	[dreg:$0x0] =	wrdreg $0xFFFFFFFF;
	(pc) =	sbr.abs _section_cstart, $3  }
0xc1: {  	[dreg:$0x1] =	wrdreg $0xFFFFFFFF  }
0xc2: {  	_ =	task.clear_ibuf [dreg:s7], $0x2FFFF;
	_ =	strace $0x9FFFFFFF  }
0xc3: {  	(tm) =	ssettm $0x7FFFFFFF  }
tec
execute0_lowered:
.L_overlay_start_1:
0x0: {  	(tag) =	ssettag $0x1  }
0x1: {  	s0 =	rddreg [dreg:$0x0]  }
0x2: {  	s3 =	rddreg [dreg:$0x2];
	s4 =	simm.s32 $0x0  }
0x3: {  	s13 =	stileid.u32;
	s2 =	srdreg.scid;
	s18 =	simm.s32 $0x5  }
0x4: {  	s20 =	simm.s32 $0x50;
	s28 =	simm.s32 $0x1;
	s29 =	simm.s32 $0x2  }
0x5: {  	s30 =	simm.s32 $0x28A0;
	s31 =	simm.s32 $0x3;
	[smem:$0x7FF] =	sst s4  }
0x6: {  	s1 =	smul.u32 $0xC800, s13;
	s5 =	sadd.s32 $0x31A00, s0;
	s6 =	sadd.s32 $0x27C00, s0  }
0x7: {  	s2 =	sand.u32 $0x1, s2;
	s7 =	sadd.s32 $0x14200, s0;
	s8 =	sadd.s32 $0x800, s0  }
0x8: {  	s11 =	sshll.u32 s13, $0x1;
	s22 =	sshll.u32 s13, $0x6;
	_ =	strace $0x80000047  }
0x9: {  	s10 =	smul.u32 $0xC8000, s2;
	s12 =	ssub.s32 $0x2, s2;
	s2 =	sor.u32 s2, s11  }
0xa: {  	v0 =	vimm.s32 $0xEFCDAB89;
	s9 =	sshrl.u32 s1, $0x3;
	s21 =	sshrl.u32 s12, $0x1;
	s2 =	smul.u32 $0x2710, s2  }
0xb: {  	v1 =	vimm.s32 $0x67452301;
	v2 =	vimm.s32 $0xDCFE98BA;
	v3 =	vimm.s32 $0x54761032;
	s9 =	sadd.s32 s9, s0;
	s10 =	sadd.s32 s1, s10;
	s11 =	ssub.s32 s12, s21  }
0xc: {  	v4 =	vimm.s32 $0xBA98FEDC;
	v5 =	vimm.s32 $0xFEDCBA98;
	s1 =	sadd.s32 s1, s3;
	s21 =	simm.s32 $0xA0;
	s10 =	sshrl.u32 s10, $0x3  }
0xd: {  	v6 =	vimm.s32 $0x32107654;
	v7 =	vimm.s32 $0x76543210;
	v0 =	vunpack.c.l.s4.s8 v0;
	s9 =	sadd.s32 $0x3B800, s9;
	s23 =	sshrl.u32 s2, $0x3;
	s12 =	sadd.s32 $0x50, s2  }
0xe: {  	v1 =	vunpack.c.l.s4.s8 v1;
	v2 =	vunpack.c.l.s4.s8 v2;
	v3 =	vunpack.c.l.s4.s8 v3;
	s14 =	sadd.s32 $0xA0, s2;
	s26 =	smax.u32 s11, $0x1;
	s17 =	sshrl.u32 s1, $0x3  }
0xf: {  	v5 =	vunpack.c.l.s4.s8 v5;
	v4 =	vunpack.c.l.s4.s8 v4;
	v6 =	vunpack.c.l.s4.s8 v6;
	s2 =	simm.s32 $0x6A40;
	s1 =	simm.s32 $0x0;
	s0 =	sadd.s32 s10, s0  }
0x10: {  	v7 =	vunpack.c.l.s4.s8 v7;
	v0 =	vunpack.c.0.s8.s32 v0;
	v1 =	vunpack.c.0.s8.s32 v1;
	[dreg:$0x4] =	wrdreg s9;
	s10 =	sor.u32 $0x1C05, s22;
	s24 =	sadd.s32 s5, s23  }
0x11: {  	v2 =	vunpack.c.0.s8.s32 v2;
	v3 =	vunpack.c.0.s8.s32 v3;
	v5 =	vunpack.c.0.s8.s32 v5;
	s25 =	sadd.s32 s6, s23;
	[dreg:$0x8] =	wrdreg s26;
	s22 =	simm.s32 $0x14A0  }
0x12: {  	v4 =	vunpack.c.0.s8.s32 v4;
	v6 =	vunpack.c.0.s8.s32 v6;
	v7 =	vunpack.c.0.s8.s32 v7;
	s23 =	simm.s32 $0x41A0;
	s26 =	simm.s32 $0x5640;
	[dreg:$0x5] =	wrdreg s24  }
0x13: {  	v0 =	vcombine.low v1, v0;
	v1 =	vcombine.low v3, v2;
	v3 =	vand.u32 $0xF, v5;
	[dreg:$0x6] =	wrdreg s25;
	s0 =	sadd.s32 $0x54800, s0;
	s24 =	simm.s32 $0x41F0  }
0x14: {  	v2 =	vcombine.low v6, v4;
	v3 =	vcombine.low v3, v7;
	s25 =	simm.s32 $0x4240;
	[dreg:$0x7] =	wrdreg s0;
	s0 =	simm.s32 $0x4  }
.LBB2_1:
0x15: {  	s9 =	rddreg [dreg:$0x4]  }
0x16: {  	[spmem:s17], [sflag:s10] =	dma.local [hbm:s9], $0x1900  }
0x17: {  	_ =	swait.ge [sflag:s18], $0x1900  }
0x18: {  	[sflag:s18] =	ssyncset.done $0x0  }
0x19: {  	[sflag:s18] =	ssyncadd.s32 $0xFFFFE700  }
0x1a: {  	s11 =	simm.s32 $0x8340;
	s15 =	rddreg [dreg:$0x1]  }
0x1b: {  	[tilespmem:s11], [sflag:$0x5] =	stream.linear.gather [hbm4b:s15+s4], $0x40, $0x38;
	[tilespmem:$0x14B80] =	vst v63  }
0x1c: {  	_ =	swait.ge [sflag:s18], $0x40  }
0x1d: {  	[sflag:s18] =	ssyncset.done $0x0  }
0x1e: {  	[sflag:s18] =	ssyncadd.s32 $0xFFFFFFC0  }
0x1f: {  	[bflag:$0x0] =	sbarrier.arrive $0xFFFF  }
0x20: {  	s16 =	rddreg [dreg:$0x5]  }
0x21: {  	[tilespmem:s4], [sflag:$0x5] =	stream.linear.gather [hbm4b:s16+s4], $0x50, $0x38;
	[tilespmem:$0x14B80] =	vst v63  }
0x22: {  	_ =	swait.ge [sflag:s18], $0x50  }
0x23: {  	[sflag:s18] =	ssyncset.done $0x0  }
0x24: {  	s19 =	rddreg [dreg:$0x6];
	[sflag:s18] =	ssyncadd.s32 $0xFFFFFFB0  }
0x25: {  	[tilespmem:s20], [sflag:$0x5] =	stream.linear.gather [hbm4b:s19+s4], $0x50, $0x38;
	[tilespmem:$0x14B80] =	vst v63  }
0x26: {  	_ =	swait.ge [sflag:s18], $0x50  }
0x27: {  	[sflag:s18] =	ssyncset.done $0x0  }
0x28: {  	[sflag:s18] =	ssyncadd.s32 $0xFFFFFFB0  }
0x29: {  	[tilespmem:s21], [sflag:$0x1] =	stream.indirect.gather [hbm4b:s7+s20], $0x40, s4, s20, $0xb8;
	[tilespmem:$0x14B80] =	vst v63  }
0x2a: {  	s19 =	simm.s32 $0x0  }
0x2b: {  	[tilespmem:s22], [sflag:$0x2] =	stream.indirect.gather [hbm4b:s8+s20], $0x40, s20, s20, $0xb8;
	[tilespmem:$0x14B80] =	vst v63  }
.LBB2_2:
0x2c: {  	s9 =	smul.u32 $0xA0, s19;
	_ =	sdelay $0x1  }
0x2d: {  	s11 =	sadd.s32 s9, s12  }
0x2e: {  	s11 =	sshrl.u32 s11, $0x3  }
0x2f: {  	s15 =	simm.s32 $0x0;
	s13 =	sadd.s32 s5, s11  }
0x30: {  	[tilespmem:s23], [sflag:$0x5] =	stream.linear.gather [hbm4b:s13+s15], $0x50, $0x38;
	[tilespmem:$0x14B80] =	vst v63  }
0x31: {  	_ =	swait.ge [sflag:s18], $0x50  }
0x32: {  	[sflag:s18] =	ssyncset.done $0x0  }
0x33: {  	s11 =	sadd.s32 s6, s11;
	[sflag:s18] =	ssyncadd.s32 $0xFFFFFFB0  }
0x34: {  	[tilespmem:s24], [sflag:$0x5] =	stream.linear.gather [hbm4b:s11+s15], $0x50, $0x38;
	[tilespmem:$0x14B80] =	vst v63  }
0x35: {  	_ =	swait.ge [sflag:s18], $0x50  }
0x36: {  	[sflag:s18] =	ssyncset.done $0x0  }
0x37: {  	[sflag:s18] =	ssyncadd.s32 $0xFFFFFFB0  }
0x38: {  	[tilespmem:s25], [sflag:$0x3] =	stream.indirect.gather [hbm4b:s7+s20], $0x40, s23, s20, $0xb8;
	[tilespmem:$0x14B80] =	vst v63  }
0x39: {  	_ = 	snop  }
0x3a: {  	[tilespmem:s26], [sflag:$0x4] =	stream.indirect.gather [hbm4b:s8+s20], $0x40, s24, s20, $0xb8;
	[tilespmem:$0x14B80] =	vst v63  }
0x3b: {  	_ =	swait.ge [sflag:s28], $0x1400  }
0x3c: {  	[sflag:s28] =	ssyncset.done $0x0  }
0x3d: {  	[sflag:s28] =	ssyncadd.s32 $0xFFFFEC00  }
0x3e: {  	_ =	swait.ge [sflag:s29], $0x1400  }
0x3f: {  	[sflag:s29] =	ssyncset.done $0x0  }
0x40: {  	s16 =	simm.s32 $0x0;
	[sflag:s29] =	ssyncadd.s32 $0xFFFFEC00  }
0x41: {  	v8 =	vld [tilespmem:s16+$0x14A0]  }
0x42: {  	v9 =	vld [tilespmem:s16+$0x14B0]  }
0x43: {  	v5 =	vld [tilespmem:s16+$0xA0]  }
0x44: {  	v4 =	vld [tilespmem:s16+$0xB0]  }
0x45: {  	v10 =	vld [tilespmem:s16+$0x14C0]  }
0x46: {  	v6 =	vld [tilespmem:s16+$0xC0]  }
0x47: {  	v7 =	vld [tilespmem:s16+$0xD0]  }
0x48: {  	v11 =	vld [tilespmem:s16+$0x14D0];
	_ =	sdelay $0x3  }
0x49: {  	v8 =	vadd.f32 v8, v5;
	v9 =	vadd.f32 v9, v4  }
0x4a: {  	v10 =	vadd.f32 v10, v6;
	v11 =	vadd.f32 v11, v7  }
0x4b: {  	v12 =	vmul.f32 $2.000000030e-01, v8;
	v13 =	vmul.f32 $2.000000030e-01, v9  }
0x4c: {  	v54 =	vmul.f32 $2.000000030e-01, v10;
	v58 =	vmul.f32 $2.000000030e-01, v11  }
0x4d: {  	v8 =	vmax.f32 v8, v12  }
0x4e: {  	v14 =	vld [tilespmem:$0x8340];
	v9 =	vmax.f32 v9, v13;
	v10 =	vmax.f32 v10, v54;
	v11 =	vmax.f32 v11, v58  }
0x4f: {  	v57 =	vld [tilespmem:$0x8350];
	v55 =	vshrl.u32 v8, $0x10;
	v15 =	vshrl.u32 v9, $0x10;
	v16 =	vshrl.u32 v10, $0x10  }
0x50: {  	v61 =	vshrl.u32 v11, $0x10;
	v13 =	vand.u32 $0x1, v55;
	v56 =	vand.u32 $0x1, v15  }
0x51: {  	v60 =	vld [tilespmem:$0x8360];
	v59 =	vand.u32 $0x1, v16;
	v8 =	vadd.s32 v13, v8;
	v9 =	vadd.s32 v56, v9  }
0x52: {  	v12 =	vand.u32 $0x1, v61;
	v8 =	vadd.s32 $0x7FFF, v8;
	v9 =	vadd.s32 $0x7FFF, v9  }
0x53: {  	v62 =	vld [tilespmem:$0x8370];
	v10 =	vadd.s32 v59, v10;
	v8 =	vand.u32 $0xFFFF0000, v8;
	v9 =	vand.u32 $0xFFFF0000, v9  }
0x54: {  	v10 =	vadd.s32 $0x7FFF, v10;
	v8 =	vmul.f32 v8, v14;
	v9 =	vmul.f32 v9, v57  }
0x55: {  	v11 =	vadd.s32 v12, v11;
	v10 =	vand.u32 $0xFFFF0000, v10  }
0x56: {  	v11 =	vadd.s32 $0x7FFF, v11;
	v10 =	vmul.f32 v10, v60;
	v8 =	vadd.f32 v9, v8  }
0x57: {  	v63 =	vand.u32 $0xFFFF0000, v11  }
0x58: {  	v9 =	vmul.f32 v63, v62;
	v8 =	vadd.f32 v10, v8;
	_ =	sdelay $0x1  }
0x59: {  	v8 =	vadd.f32 v9, v8;
	_ =	sdelay $0x1  }
0x5a: {  	v9 =	vperm.xlane v8, v0;
	_ =	sdelay $0x1  }
0x5b: {  	v8 =	vadd.f32 v8, v9;
	_ =	sdelay $0x1  }
0x5c: {  	v9 =	vperm.xlane v8, v1;
	_ =	sdelay $0x1  }
0x5d: {  	v8 =	vadd.f32 v8, v9;
	_ =	sdelay $0x1  }
0x5e: {  	v9 =	vperm.xlane v8, v2;
	_ =	sdelay $0x1  }
0x5f: {  	v8 =	vadd.f32 v8, v9;
	_ =	sdelay $0x1  }
0x60: {  	v9 =	vperm.xlane v8, v3;
	_ =	sdelay $0x1  }
0x61: {  	v8 =	vadd.f32 v8, v9;
	_ =	sdelay $0x1  }
0x62: {  	v8 =	vmul.f32 $1.442695020e+00, v8;
	_ =	sdelay $0x1  }
0x63: {  	s13 =	simm.s32 $0x28C0;
	s15 =	simm.s32 $0x100;
	s11 =	simm.s32 $0x28C0;
	(erf) = vpow2.f32 v8  }
.LBB2_3:
0x64: {  	_ =	sdelay $0x4  }
0x65: {  	p0 =	sne.s32 s15, $0x4F00  }
0x66: {  	s13 =	sadd.s32 $0x50, s13;
	s16 =	smov.u32 s15;
	s15 =	sadd.s32 $0x100, s15  }
0x67: {  	_ = 	snop  }
0x68: {  	v8 =	vpop (erf)  }
0x69: {  	v5 =	vmul.f32 v8, v5;
	v4 =	vmul.f32 v8, v4;
	[tilespmem:s11+$0x20] =	vst v8  }
0x6a: {  	v6 =	vmul.f32 v8, v6;
	v7 =	vmul.f32 v8, v7  }
0x6b: {  	[tilespmem:s11+$0xFFFFFFE0] =	vst v5  }
0x6c: {  	[tilespmem:s11+$0x0] =	vst v6  }
0x6d: {  	[tilespmem:s11+$0x10] =	vst v7  }
0x6e: {  	s16 =	sshra.s32 s16, $0x2;
	[tilespmem:s11+$0xFFFFFFF0] =	vst v4;
	s11 =	smov.u32 s13  }
0x6f: {  	v8 =	vld [tilespmem:s16+$0x14A0]  }
0x70: {  	v9 =	vld [tilespmem:s16+$0x14B0]  }
0x71: {  	v5 =	vld [tilespmem:s16+$0xA0]  }
0x72: {  	v4 =	vld [tilespmem:s16+$0xB0]  }
0x73: {  	v10 =	vld [tilespmem:s16+$0x14C0]  }
0x74: {  	v6 =	vld [tilespmem:s16+$0xC0];
	_ =	sdelay $0x1  }
0x75: {  	v7 =	vld [tilespmem:s16+$0xD0]  }
0x76: {  	v8 =	vadd.f32 v8, v5;
	v9 =	vadd.f32 v9, v4;
	v11 =	vld [tilespmem:s16+$0x14D0];
	_ =	sdelay $0x1  }
0x77: {  	v12 =	vmul.f32 $2.000000030e-01, v8;
	v13 =	vmul.f32 $2.000000030e-01, v9;
	v10 =	vadd.f32 v10, v6;
	_ =	sdelay $0x1  }
0x78: {  	v8 =	vmax.f32 v8, v12;
	v9 =	vmax.f32 v9, v13;
	v12 =	vmul.f32 $2.000000030e-01, v10  }
0x79: {  	v13 =	vshrl.u32 v8, $0x10;
	v11 =	vadd.f32 v11, v7;
	v14 =	vld [tilespmem:$0x8340];
	v15 =	vshrl.u32 v9, $0x10  }
0x7a: {  	v10 =	vmax.f32 v10, v12;
	v12 =	vand.u32 $0x1, v13;
	v13 =	vand.u32 $0x1, v15  }
0x7b: {  	v15 =	vmul.f32 $2.000000030e-01, v11;
	v8 =	vadd.s32 v12, v8;
	v12 =	vld [tilespmem:$0x8350];
	v16 =	vshrl.u32 v10, $0x10  }
0x7c: {  	v9 =	vadd.s32 v13, v9;
	v8 =	vadd.s32 $0x7FFF, v8;
	v13 =	vand.u32 $0x1, v16;
	v16 =	vld [tilespmem:$0x8360]  }
0x7d: {  	v9 =	vadd.s32 $0x7FFF, v9;
	v11 =	vmax.f32 v11, v15;
	v8 =	vand.u32 $0xFFFF0000, v8  }
0x7e: {  	v10 =	vadd.s32 v13, v10;
	v8 =	vmul.f32 v8, v14;
	v13 =	vshrl.u32 v11, $0x10;
	v14 =	vld [tilespmem:$0x8370]  }
0x7f: {  	v9 =	vand.u32 $0xFFFF0000, v9;
	v10 =	vadd.s32 $0x7FFF, v10;
	v13 =	vand.u32 $0x1, v13  }
0x80: {  	v10 =	vand.u32 $0xFFFF0000, v10;
	v9 =	vmul.f32 v9, v12;
	v11 =	vadd.s32 v13, v11  }
0x81: {  	v10 =	vmul.f32 v10, v16;
	v11 =	vadd.s32 $0x7FFF, v11  }
0x82: {  	v8 =	vadd.f32 v9, v8;
	v9 =	vand.u32 $0xFFFF0000, v11  }
0x83: {  	v9 =	vmul.f32 v9, v14  }
0x84: {  	v8 =	vadd.f32 v10, v8;
	_ =	sdelay $0x1  }
0x85: {  	v8 =	vadd.f32 v9, v8;
	_ =	sdelay $0x1  }
0x86: {  	v9 =	vperm.xlane v8, v0;
	_ =	sdelay $0x1  }
0x87: {  	v8 =	vadd.f32 v8, v9;
	_ =	sdelay $0x1  }
0x88: {  	v9 =	vperm.xlane v8, v1;
	_ =	sdelay $0x1  }
0x89: {  	v8 =	vadd.f32 v8, v9;
	_ =	sdelay $0x1  }
0x8a: {  	v9 =	vperm.xlane v8, v2;
	_ =	sdelay $0x1  }
0x8b: {  	v8 =	vadd.f32 v8, v9;
	_ =	sdelay $0x1  }
0x8c: {  	v9 =	vperm.xlane v8, v3;
	_ =	sdelay $0x1  }
.Ltmp0:
0x8d: {  	v8 =	vadd.f32 v8, v9;
	(pc) =	sbr.rel @p0 .LBB2_3-.Ltmp0, $3  }
0x8e: {  	_ = 	snop  }
0x8f: {  	v8 =	vmul.f32 $1.442695020e+00, v8;
	_ =	sdelay $0x1  }
0x90: {  	(erf) = vpow2.f32 v8  }
0x91: {  	_ =	sdelay $0x7  }
0x92: {  	v8 =	vpop (erf)  }
0x93: {  	v5 =	vmul.f32 v8, v5  }
0x94: {  	[tilespmem:s11+$0x20] =	vst v8;
	v6 =	vmul.f32 v8, v6  }
0x95: {  	v7 =	vmul.f32 v8, v7;
	[tilespmem:s11+$0xFFFFFFE0] =	vst v5  }
0x96: {  	v4 =	vmul.f32 v8, v4;
	[tilespmem:s11+$0x0] =	vst v6  }
0x97: {  	[tilespmem:s11+$0x10] =	vst v7  }
0x98: {  	[tilespmem:s11+$0xFFFFFFF0] =	vst v4  }
0x99: {  	[spmem:s3] =	stream.indirect.scatter.add.f32 [tilespmem:s30], [sflag:$0x5], $0x50, s20, s20, $0xb8;
	[tilespmem:$0x14B80] =	vst v63  }
0x9a: {  	s9 =	sadd.s32 s9, s14;
	_ =	swait.ge [sflag:s18], $0x1900  }
0x9b: {  	s9 =	sshrl.u32 s9, $0x3;
	[sflag:s18] =	ssyncset.done $0x0  }
0x9c: {  	s13 =	simm.s32 $0x0;
	s15 =	sadd.s32 s5, s9;
	[sflag:s18] =	ssyncadd.s32 $0xFFFFE700  }
0x9d: {  	[tilespmem:s13], [sflag:$0x5] =	stream.linear.gather [hbm4b:s15+s13], $0x50, $0x38;
	[tilespmem:$0x14B80] =	vst v63  }
0x9e: {  	_ =	swait.ge [sflag:s18], $0x50  }
0x9f: {  	[sflag:s18] =	ssyncset.done $0x0  }
0xa0: {  	s9 =	sadd.s32 s6, s9;
	[sflag:s18] =	ssyncadd.s32 $0xFFFFFFB0  }
0xa1: {  	[tilespmem:s20], [sflag:$0x5] =	stream.linear.gather [hbm4b:s9+s13], $0x50, $0x38;
	[tilespmem:$0x14B80] =	vst v63  }
0xa2: {  	_ =	swait.ge [sflag:s18], $0x50  }
0xa3: {  	[sflag:s18] =	ssyncset.done $0x0  }
0xa4: {  	[sflag:s18] =	ssyncadd.s32 $0xFFFFFFB0  }
0xa5: {  	[tilespmem:s21], [sflag:$0x1] =	stream.indirect.gather [hbm4b:s7+s20], $0x40, s13, s20, $0xb8;
	[tilespmem:$0x14B80] =	vst v63  }
0xa6: {  	_ = 	snop  }
0xa7: {  	[tilespmem:s22], [sflag:$0x2] =	stream.indirect.gather [hbm4b:s8+s20], $0x40, s20, s20, $0xb8;
	[tilespmem:$0x14B80] =	vst v63  }
0xa8: {  	_ =	swait.ge [sflag:s31], $0x1400  }
0xa9: {  	[sflag:s31] =	ssyncset.done $0x0  }
0xaa: {  	[sflag:s31] =	ssyncadd.s32 $0xFFFFEC00  }
0xab: {  	_ =	swait.ge [sflag:s0], $0x1400  }
0xac: {  	[sflag:s0] =	ssyncset.done $0x0  }
0xad: {  	s16 =	simm.s32 $0x0;
	[sflag:s0] =	ssyncadd.s32 $0xFFFFEC00  }
0xae: {  	v8 =	vld [tilespmem:s16+$0x5640]  }
0xaf: {  	v9 =	vld [tilespmem:s16+$0x5650]  }
0xb0: {  	v5 =	vld [tilespmem:s16+$0x4240]  }
0xb1: {  	v4 =	vld [tilespmem:s16+$0x4250]  }
0xb2: {  	v10 =	vld [tilespmem:s16+$0x5660]  }
0xb3: {  	v6 =	vld [tilespmem:s16+$0x4260]  }
0xb4: {  	v7 =	vld [tilespmem:s16+$0x4270]  }
0xb5: {  	v11 =	vld [tilespmem:s16+$0x5670];
	_ =	sdelay $0x3  }
0xb6: {  	v8 =	vadd.f32 v8, v5;
	v9 =	vadd.f32 v9, v4  }
0xb7: {  	v10 =	vadd.f32 v10, v6;
	v11 =	vadd.f32 v11, v7  }
0xb8: {  	v12 =	vmul.f32 $2.000000030e-01, v8;
	v13 =	vmul.f32 $2.000000030e-01, v9  }
0xb9: {  	v54 =	vmul.f32 $2.000000030e-01, v10;
	v58 =	vmul.f32 $2.000000030e-01, v11  }
0xba: {  	v8 =	vmax.f32 v8, v12  }
0xbb: {  	v14 =	vld [tilespmem:$0x8340];
	v9 =	vmax.f32 v9, v13;
	v10 =	vmax.f32 v10, v54;
	v11 =	vmax.f32 v11, v58  }
0xbc: {  	v57 =	vld [tilespmem:$0x8350];
	v55 =	vshrl.u32 v8, $0x10;
	v15 =	vshrl.u32 v9, $0x10;
	v16 =	vshrl.u32 v10, $0x10  }
0xbd: {  	v61 =	vshrl.u32 v11, $0x10;
	v13 =	vand.u32 $0x1, v55;
	v56 =	vand.u32 $0x1, v15  }
0xbe: {  	v60 =	vld [tilespmem:$0x8360];
	v59 =	vand.u32 $0x1, v16;
	v8 =	vadd.s32 v13, v8;
	v9 =	vadd.s32 v56, v9  }
0xbf: {  	v12 =	vand.u32 $0x1, v61;
	v8 =	vadd.s32 $0x7FFF, v8;
	v9 =	vadd.s32 $0x7FFF, v9  }
0xc0: {  	v62 =	vld [tilespmem:$0x8370];
	v10 =	vadd.s32 v59, v10;
	v8 =	vand.u32 $0xFFFF0000, v8;
	v9 =	vand.u32 $0xFFFF0000, v9  }
0xc1: {  	v10 =	vadd.s32 $0x7FFF, v10;
	v8 =	vmul.f32 v8, v14;
	v9 =	vmul.f32 v9, v57  }
0xc2: {  	v11 =	vadd.s32 v12, v11;
	v10 =	vand.u32 $0xFFFF0000, v10  }
0xc3: {  	v11 =	vadd.s32 $0x7FFF, v11;
	v10 =	vmul.f32 v10, v60;
	v8 =	vadd.f32 v9, v8  }
0xc4: {  	v63 =	vand.u32 $0xFFFF0000, v11  }
0xc5: {  	v9 =	vmul.f32 v63, v62;
	v8 =	vadd.f32 v10, v8;
	_ =	sdelay $0x1  }
0xc6: {  	v8 =	vadd.f32 v9, v8;
	_ =	sdelay $0x1  }
0xc7: {  	v9 =	vperm.xlane v8, v0;
	_ =	sdelay $0x1  }
0xc8: {  	v8 =	vadd.f32 v8, v9;
	_ =	sdelay $0x1  }
0xc9: {  	v9 =	vperm.xlane v8, v1;
	_ =	sdelay $0x1  }
0xca: {  	v8 =	vadd.f32 v8, v9;
	_ =	sdelay $0x1  }
0xcb: {  	v9 =	vperm.xlane v8, v2;
	_ =	sdelay $0x1  }
0xcc: {  	v8 =	vadd.f32 v8, v9;
	_ =	sdelay $0x1  }
0xcd: {  	v9 =	vperm.xlane v8, v3;
	_ =	sdelay $0x1  }
0xce: {  	v8 =	vadd.f32 v8, v9;
	_ =	sdelay $0x1  }
0xcf: {  	v8 =	vmul.f32 $1.442695020e+00, v8;
	_ =	sdelay $0x1  }
0xd0: {  	s11 =	simm.s32 $0x6A60;
	s9 =	simm.s32 $0x6A60;
	s13 =	simm.s32 $0x100;
	(erf) = vpow2.f32 v8  }
.LBB2_5:
0xd1: {  	_ =	sdelay $0x4  }
0xd2: {  	p0 =	sne.s32 s13, $0x4F00  }
0xd3: {  	s11 =	sadd.s32 $0x50, s11;
	s15 =	smov.u32 s13;
	s13 =	sadd.s32 $0x100, s13  }
0xd4: {  	_ = 	snop  }
0xd5: {  	v8 =	vpop (erf)  }
0xd6: {  	v5 =	vmul.f32 v8, v5;
	v4 =	vmul.f32 v8, v4;
	[tilespmem:s9+$0x20] =	vst v8  }
0xd7: {  	v6 =	vmul.f32 v8, v6;
	v7 =	vmul.f32 v8, v7  }
0xd8: {  	[tilespmem:s9+$0xFFFFFFE0] =	vst v5  }
0xd9: {  	[tilespmem:s9+$0x0] =	vst v6  }
0xda: {  	[tilespmem:s9+$0x10] =	vst v7  }
0xdb: {  	s15 =	sshra.s32 s15, $0x2;
	[tilespmem:s9+$0xFFFFFFF0] =	vst v4;
	s9 =	smov.u32 s11  }
0xdc: {  	v8 =	vld [tilespmem:s15+$0x5640]  }
0xdd: {  	v9 =	vld [tilespmem:s15+$0x5650]  }
0xde: {  	v5 =	vld [tilespmem:s15+$0x4240]  }
0xdf: {  	v4 =	vld [tilespmem:s15+$0x4250]  }
0xe0: {  	v10 =	vld [tilespmem:s15+$0x5660]  }
0xe1: {  	v6 =	vld [tilespmem:s15+$0x4260];
	_ =	sdelay $0x1  }
0xe2: {  	v7 =	vld [tilespmem:s15+$0x4270]  }
0xe3: {  	v8 =	vadd.f32 v8, v5;
	v9 =	vadd.f32 v9, v4;
	v11 =	vld [tilespmem:s15+$0x5670];
	_ =	sdelay $0x1  }
0xe4: {  	v12 =	vmul.f32 $2.000000030e-01, v8;
	v13 =	vmul.f32 $2.000000030e-01, v9;
	v10 =	vadd.f32 v10, v6;
	_ =	sdelay $0x1  }
0xe5: {  	v8 =	vmax.f32 v8, v12;
	v9 =	vmax.f32 v9, v13;
	v12 =	vmul.f32 $2.000000030e-01, v10  }
0xe6: {  	v13 =	vshrl.u32 v8, $0x10;
	v11 =	vadd.f32 v11, v7;
	v14 =	vld [tilespmem:$0x8340];
	v15 =	vshrl.u32 v9, $0x10  }
0xe7: {  	v10 =	vmax.f32 v10, v12;
	v12 =	vand.u32 $0x1, v13;
	v13 =	vand.u32 $0x1, v15  }
0xe8: {  	v15 =	vmul.f32 $2.000000030e-01, v11;
	v8 =	vadd.s32 v12, v8;
	v12 =	vld [tilespmem:$0x8350];
	v16 =	vshrl.u32 v10, $0x10  }
0xe9: {  	v9 =	vadd.s32 v13, v9;
	v8 =	vadd.s32 $0x7FFF, v8;
	v13 =	vand.u32 $0x1, v16;
	v16 =	vld [tilespmem:$0x8360]  }
0xea: {  	v9 =	vadd.s32 $0x7FFF, v9;
	v11 =	vmax.f32 v11, v15;
	v8 =	vand.u32 $0xFFFF0000, v8  }
0xeb: {  	v10 =	vadd.s32 v13, v10;
	v8 =	vmul.f32 v8, v14;
	v13 =	vshrl.u32 v11, $0x10;
	v14 =	vld [tilespmem:$0x8370]  }
0xec: {  	v9 =	vand.u32 $0xFFFF0000, v9;
	v10 =	vadd.s32 $0x7FFF, v10;
	v13 =	vand.u32 $0x1, v13  }
0xed: {  	v10 =	vand.u32 $0xFFFF0000, v10;
	v9 =	vmul.f32 v9, v12;
	v11 =	vadd.s32 v13, v11  }
0xee: {  	v10 =	vmul.f32 v10, v16;
	v11 =	vadd.s32 $0x7FFF, v11  }
0xef: {  	v8 =	vadd.f32 v9, v8;
	v9 =	vand.u32 $0xFFFF0000, v11  }
0xf0: {  	v9 =	vmul.f32 v9, v14  }
0xf1: {  	v8 =	vadd.f32 v10, v8;
	_ =	sdelay $0x1  }
0xf2: {  	v8 =	vadd.f32 v9, v8;
	_ =	sdelay $0x1  }
0xf3: {  	v9 =	vperm.xlane v8, v0;
	_ =	sdelay $0x1  }
0xf4: {  	v8 =	vadd.f32 v8, v9;
	_ =	sdelay $0x1  }
0xf5: {  	v9 =	vperm.xlane v8, v1;
	_ =	sdelay $0x1  }
0xf6: {  	v8 =	vadd.f32 v8, v9;
	_ =	sdelay $0x1  }
0xf7: {  	v9 =	vperm.xlane v8, v2;
	_ =	sdelay $0x1  }
0xf8: {  	v8 =	vadd.f32 v8, v9;
	_ =	sdelay $0x1  }
0xf9: {  	v9 =	vperm.xlane v8, v3;
	_ =	sdelay $0x1  }
.Ltmp1:
0xfa: {  	v8 =	vadd.f32 v8, v9;
	(pc) =	sbr.rel @p0 .LBB2_5-.Ltmp1, $3  }
0xfb: {  	_ = 	snop  }
0xfc: {  	v8 =	vmul.f32 $1.442695020e+00, v8;
	_ =	sdelay $0x1  }
0xfd: {  	(erf) = vpow2.f32 v8  }
0xfe: {  	_ =	sdelay $0x7  }
0xff: {  	v8 =	vpop (erf)  }
0x100: {  	v5 =	vmul.f32 v8, v5  }
0x101: {  	[tilespmem:s9+$0x20] =	vst v8;
	v6 =	vmul.f32 v8, v6  }
0x102: {  	v7 =	vmul.f32 v8, v7;
	[tilespmem:s9+$0xFFFFFFE0] =	vst v5  }
0x103: {  	s19 =	sadd.s32 $0x1, s19;
	v4 =	vmul.f32 v8, v4;
	[tilespmem:s9+$0x0] =	vst v6  }
0x104: {  	p0 =	sne.s32 s19, $0x3E;
	[tilespmem:s9+$0x10] =	vst v7  }
.Ltmp2:
0x105: {  	[tilespmem:s9+$0xFFFFFFF0] =	vst v4;
	(pc) =	sbr.rel @p0 .LBB2_2-.Ltmp2, $4  }
0x106: {  	[spmem:s3] =	stream.indirect.scatter.add.f32 [tilespmem:s2], [sflag:$0x5], $0x50, s24, s20, $0xb8;
	[tilespmem:$0x14B80] =	vst v63  }
0x107: {  	_ =	swait.ge [sflag:s18], $0x1900  }
0x108: {  	[sflag:s18] =	ssyncset.done $0x0  }
0x109: {  	[sflag:s18] =	ssyncadd.s32 $0xFFFFE700  }
0x10a: {  	_ =	swait.ge [sflag:s28], $0x1400  }
0x10b: {  	[sflag:s28] =	ssyncset.done $0x0  }
0x10c: {  	[sflag:s28] =	ssyncadd.s32 $0xFFFFEC00  }
0x10d: {  	_ =	swait.ge [sflag:s29], $0x1400  }
0x10e: {  	[sflag:s29] =	ssyncset.done $0x0  }
0x10f: {  	s9 =	simm.s32 $0x0;
	[sflag:s29] =	ssyncadd.s32 $0xFFFFEC00  }
0x110: {  	v8 =	vld [tilespmem:s9+$0x14A0]  }
0x111: {  	v9 =	vld [tilespmem:s9+$0x14B0]  }
0x112: {  	v5 =	vld [tilespmem:s9+$0xA0]  }
0x113: {  	v4 =	vld [tilespmem:s9+$0xB0]  }
0x114: {  	v10 =	vld [tilespmem:s9+$0x14C0]  }
0x115: {  	v6 =	vld [tilespmem:s9+$0xC0]  }
0x116: {  	v7 =	vld [tilespmem:s9+$0xD0]  }
0x117: {  	v11 =	vld [tilespmem:s9+$0x14D0];
	_ =	sdelay $0x3  }
0x118: {  	v8 =	vadd.f32 v8, v5;
	v9 =	vadd.f32 v9, v4  }
0x119: {  	v10 =	vadd.f32 v10, v6;
	v11 =	vadd.f32 v11, v7  }
0x11a: {  	v12 =	vmul.f32 $2.000000030e-01, v8;
	v13 =	vmul.f32 $2.000000030e-01, v9  }
0x11b: {  	v54 =	vmul.f32 $2.000000030e-01, v10;
	v58 =	vmul.f32 $2.000000030e-01, v11  }
0x11c: {  	v8 =	vmax.f32 v8, v12  }
0x11d: {  	v14 =	vld [tilespmem:$0x8340];
	v9 =	vmax.f32 v9, v13;
	v10 =	vmax.f32 v10, v54;
	v11 =	vmax.f32 v11, v58  }
0x11e: {  	v57 =	vld [tilespmem:$0x8350];
	v55 =	vshrl.u32 v8, $0x10;
	v15 =	vshrl.u32 v9, $0x10;
	v16 =	vshrl.u32 v10, $0x10  }
0x11f: {  	v61 =	vshrl.u32 v11, $0x10;
	v13 =	vand.u32 $0x1, v55;
	v56 =	vand.u32 $0x1, v15  }
0x120: {  	v60 =	vld [tilespmem:$0x8360];
	v59 =	vand.u32 $0x1, v16;
	v8 =	vadd.s32 v13, v8;
	v9 =	vadd.s32 v56, v9  }
0x121: {  	v12 =	vand.u32 $0x1, v61;
	v8 =	vadd.s32 $0x7FFF, v8;
	v9 =	vadd.s32 $0x7FFF, v9  }
0x122: {  	v62 =	vld [tilespmem:$0x8370];
	v10 =	vadd.s32 v59, v10;
	v8 =	vand.u32 $0xFFFF0000, v8;
	v9 =	vand.u32 $0xFFFF0000, v9  }
0x123: {  	v10 =	vadd.s32 $0x7FFF, v10;
	v8 =	vmul.f32 v8, v14;
	v9 =	vmul.f32 v9, v57  }
0x124: {  	v11 =	vadd.s32 v12, v11;
	v10 =	vand.u32 $0xFFFF0000, v10  }
0x125: {  	v11 =	vadd.s32 $0x7FFF, v11;
	v10 =	vmul.f32 v10, v60;
	v8 =	vadd.f32 v9, v8  }
0x126: {  	v63 =	vand.u32 $0xFFFF0000, v11  }
0x127: {  	v9 =	vmul.f32 v63, v62;
	v8 =	vadd.f32 v10, v8;
	_ =	sdelay $0x1  }
0x128: {  	v8 =	vadd.f32 v9, v8;
	_ =	sdelay $0x1  }
0x129: {  	v9 =	vperm.xlane v8, v0;
	_ =	sdelay $0x1  }
0x12a: {  	v8 =	vadd.f32 v8, v9;
	_ =	sdelay $0x1  }
0x12b: {  	v9 =	vperm.xlane v8, v1;
	_ =	sdelay $0x1  }
0x12c: {  	v8 =	vadd.f32 v8, v9;
	_ =	sdelay $0x1  }
0x12d: {  	v9 =	vperm.xlane v8, v2;
	_ =	sdelay $0x1  }
0x12e: {  	v8 =	vadd.f32 v8, v9;
	_ =	sdelay $0x1  }
0x12f: {  	v9 =	vperm.xlane v8, v3;
	_ =	sdelay $0x1  }
0x130: {  	v8 =	vadd.f32 v8, v9;
	_ =	sdelay $0x1  }
0x131: {  	v8 =	vmul.f32 $1.442695020e+00, v8;
	_ =	sdelay $0x1  }
0x132: {  	s11 =	simm.s32 $0x28C0;
	s13 =	simm.s32 $0x100;
	s9 =	simm.s32 $0x28C0;
	(erf) = vpow2.f32 v8  }
.LBB2_8:
0x133: {  	_ =	sdelay $0x4  }
0x134: {  	p0 =	sne.s32 s13, $0x4F00  }
0x135: {  	s11 =	sadd.s32 $0x50, s11;
	s15 =	smov.u32 s13;
	s13 =	sadd.s32 $0x100, s13  }
0x136: {  	_ = 	snop  }
0x137: {  	v8 =	vpop (erf)  }
0x138: {  	v5 =	vmul.f32 v8, v5;
	v4 =	vmul.f32 v8, v4;
	[tilespmem:s9+$0x20] =	vst v8  }
0x139: {  	v6 =	vmul.f32 v8, v6;
	v7 =	vmul.f32 v8, v7  }
0x13a: {  	[tilespmem:s9+$0xFFFFFFE0] =	vst v5  }
0x13b: {  	[tilespmem:s9+$0x0] =	vst v6  }
0x13c: {  	[tilespmem:s9+$0x10] =	vst v7  }
0x13d: {  	s15 =	sshra.s32 s15, $0x2;
	[tilespmem:s9+$0xFFFFFFF0] =	vst v4;
	s9 =	smov.u32 s11  }
0x13e: {  	v8 =	vld [tilespmem:s15+$0x14A0]  }
0x13f: {  	v9 =	vld [tilespmem:s15+$0x14B0]  }
0x140: {  	v5 =	vld [tilespmem:s15+$0xA0]  }
0x141: {  	v4 =	vld [tilespmem:s15+$0xB0]  }
0x142: {  	v10 =	vld [tilespmem:s15+$0x14C0]  }
0x143: {  	v6 =	vld [tilespmem:s15+$0xC0];
	_ =	sdelay $0x1  }
0x144: {  	v7 =	vld [tilespmem:s15+$0xD0]  }
0x145: {  	v8 =	vadd.f32 v8, v5;
	v9 =	vadd.f32 v9, v4;
	v11 =	vld [tilespmem:s15+$0x14D0];
	_ =	sdelay $0x1  }
0x146: {  	v12 =	vmul.f32 $2.000000030e-01, v8;
	v13 =	vmul.f32 $2.000000030e-01, v9;
	v10 =	vadd.f32 v10, v6;
	_ =	sdelay $0x1  }
0x147: {  	v8 =	vmax.f32 v8, v12;
	v9 =	vmax.f32 v9, v13;
	v12 =	vmul.f32 $2.000000030e-01, v10  }
0x148: {  	v13 =	vshrl.u32 v8, $0x10;
	v11 =	vadd.f32 v11, v7;
	v14 =	vld [tilespmem:$0x8340];
	v15 =	vshrl.u32 v9, $0x10  }
0x149: {  	v10 =	vmax.f32 v10, v12;
	v12 =	vand.u32 $0x1, v13;
	v13 =	vand.u32 $0x1, v15  }
0x14a: {  	v15 =	vmul.f32 $2.000000030e-01, v11;
	v8 =	vadd.s32 v12, v8;
	v12 =	vld [tilespmem:$0x8350];
	v16 =	vshrl.u32 v10, $0x10  }
0x14b: {  	v9 =	vadd.s32 v13, v9;
	v8 =	vadd.s32 $0x7FFF, v8;
	v13 =	vand.u32 $0x1, v16;
	v16 =	vld [tilespmem:$0x8360]  }
0x14c: {  	v9 =	vadd.s32 $0x7FFF, v9;
	v11 =	vmax.f32 v11, v15;
	v8 =	vand.u32 $0xFFFF0000, v8  }
0x14d: {  	v10 =	vadd.s32 v13, v10;
	v8 =	vmul.f32 v8, v14;
	v13 =	vshrl.u32 v11, $0x10;
	v14 =	vld [tilespmem:$0x8370]  }
0x14e: {  	v9 =	vand.u32 $0xFFFF0000, v9;
	v10 =	vadd.s32 $0x7FFF, v10;
	v13 =	vand.u32 $0x1, v13  }
0x14f: {  	v10 =	vand.u32 $0xFFFF0000, v10;
	v9 =	vmul.f32 v9, v12;
	v11 =	vadd.s32 v13, v11  }
0x150: {  	v10 =	vmul.f32 v10, v16;
	v11 =	vadd.s32 $0x7FFF, v11  }
0x151: {  	v8 =	vadd.f32 v9, v8;
	v9 =	vand.u32 $0xFFFF0000, v11  }
0x152: {  	v9 =	vmul.f32 v9, v14  }
0x153: {  	v8 =	vadd.f32 v10, v8;
	_ =	sdelay $0x1  }
0x154: {  	v8 =	vadd.f32 v9, v8;
	_ =	sdelay $0x1  }
0x155: {  	v9 =	vperm.xlane v8, v0;
	_ =	sdelay $0x1  }
0x156: {  	v8 =	vadd.f32 v8, v9;
	_ =	sdelay $0x1  }
0x157: {  	v9 =	vperm.xlane v8, v1;
	_ =	sdelay $0x1  }
0x158: {  	v8 =	vadd.f32 v8, v9;
	_ =	sdelay $0x1  }
0x159: {  	v9 =	vperm.xlane v8, v2;
	_ =	sdelay $0x1  }
0x15a: {  	v8 =	vadd.f32 v8, v9;
	_ =	sdelay $0x1  }
0x15b: {  	v9 =	vperm.xlane v8, v3;
	_ =	sdelay $0x1  }
.Ltmp3:
0x15c: {  	v8 =	vadd.f32 v8, v9;
	(pc) =	sbr.rel @p0 .LBB2_8-.Ltmp3, $3  }
0x15d: {  	_ = 	snop  }
0x15e: {  	v8 =	vmul.f32 $1.442695020e+00, v8;
	_ =	sdelay $0x1  }
0x15f: {  	(erf) = vpow2.f32 v8  }
0x160: {  	_ =	sdelay $0x7  }
0x161: {  	v8 =	vpop (erf)  }
0x162: {  	v5 =	vmul.f32 v8, v5  }
0x163: {  	[tilespmem:s9+$0x20] =	vst v8;
	v6 =	vmul.f32 v8, v6  }
0x164: {  	v7 =	vmul.f32 v8, v7;
	[tilespmem:s9+$0xFFFFFFE0] =	vst v5  }
0x165: {  	v4 =	vmul.f32 v8, v4;
	[tilespmem:s9+$0x0] =	vst v6  }
0x166: {  	[tilespmem:s9+$0x10] =	vst v7  }
0x167: {  	[tilespmem:s9+$0xFFFFFFF0] =	vst v4  }
0x168: {  	[spmem:s3] =	stream.indirect.scatter.add.f32 [tilespmem:s30], [sflag:$0x5], $0x50, s20, s20, $0xb8;
	[tilespmem:$0x14B80] =	vst v63  }
0x169: {  	_ =	swait.ge [sflag:s18], $0x1900  }
0x16a: {  	[sflag:s18] =	ssyncset.done $0x0  }
0x16b: {  	[sflag:s18] =	ssyncadd.s32 $0xFFFFE700  }
0x16c: {  	[bflag:$0x0] =	sbarrier.arrive $0xFFFF  }
0x16d: {  	s16 =	rddreg [dreg:$0x7]  }
0x16e: {  	[hbm:s16], [sflag:s10] =	dma.local [spmem:s17], $0x1900  }
0x16f: {  	_ =	swait.ge [sflag:s18], $0x1900  }
0x170: {  	s1 =	sadd.s32 $0x1, s1;
	s19 =	rddreg [dreg:$0x8]  }
0x171: {  	p0 =	sne.s32 s1, s19  }
.Ltmp4:
0x172: {  	_ = 	snop;
	(pc) =	sbr.rel @p0 .LBB2_1-.Ltmp4, $3  }
0x173: {  	_ =	sdelay $0x1  }
0x174: {  	[sflag:s18] =	ssyncset.done $0x0  }
0x175: {  	[sflag:s18] =	ssyncadd.s32 $0xFFFFE700  }
0x176: {  	_ =	sfence.sel $0x180000  }
0x177: {  	[bflag:$0x0] =	sbarrier.arrive $0xFFFF  }
0x178: {  	_ =	strace $0x90000047  }
0x179: {  	s0 =	stileid.u32;
	[bflag:$0x2] =	sbarrier.arrive $0xFFFF  }
0x17a: {  	p0 =	sne.s32 s0, $0x0;
	s0 =	rddreg [dreg:$0x3]  }
0x17b: {  	s0 =	sadd.s32 @!p0 $0x100000, s0  }
0x17c: {  	[sflag:s0] =	ssyncadd.tile.s32 @!p0 $0x1;
	_ =	shalt  }
.Lfunc_end2:
_tile_overlayer_lowered:
.L_overlay_start_2:
0x17d: {  	(tag) =	ssettag $0x2  }
0x17e: {  	s0 =	rddreg [dreg:$0x0];
	s2 =	stileid.u32  }
0x17f: {  	s1 =	rddreg [dreg:$0x1];
	p0 =	sne.s32 s2, $0x0  }
0x180: {  	s3 =	rddreg [dreg:$0x2];
	[bflag:$0x3] =	sbarrier.arrive $0xFFFF;
	s2 =	simm.s32 @!p0 $0x1C05  }
0x181: {  	[timem:s3], [sflag:s2] =	dma.local @!p0 [hbm:s0], s1  }
0x182: {  	s0 =	simm.s32 @!p0 $0x5  }
0x183: {  	_ =	swait.ge @!p0 [sflag:s0], s1  }
0x184: {  	s1 =	ssub.s32 @!p0 $0x0, s1;
	[sflag:s0] =	ssyncset.done @!p0 $0x0  }
0x185: {  	[sflag:s0] =	ssyncadd.s32 @!p0 s1  }
0x186: {  	[bflag:$0x3] =	sbarrier.arrive $0xFFFF  }
0x187: {  	_ =	shalt  }

</sc_bundles>
